<compile_context>
chip_gen: v7x
topology: tpu7x:2x2x1
jax: 0.10.2.dev20260603
libtpu: 0.0.44.dev20260713+nightly
codegen_flags: <defaults>
</compile_context>

<pallas_src>
import functools

import jax
import jax.numpy as jnp
import numpy as np
from jax import lax
from jax.experimental import pallas as pl
from jax.experimental.pallas import tpu as pltpu
from jax.experimental.pallas import tpu_sc as plsc

NC, NS = 2, 16
NW = NC * NS
CI = 64
NB = 4


def kernel(x, table):
    b, s = x.shape
    vocab, d = table.shape
    n = b * s
    scale = float(d) ** 0.5
    nrows = n // CI
    nch = nrows // NW

    x2 = x.reshape(NW, nch, CI)
    p = np.arange(n, dtype=np.int32)
    omap = jnp.asarray(((p % s) * b + p // s).reshape(NW, nch, CI))

    mesh = plsc.VectorSubcoreMesh(core_axis_name="c", subcore_axis_name="s")

    @functools.partial(
        pl.kernel, mesh=mesh,
        out_type=jax.ShapeDtypeStruct((n, d), table.dtype),
        scratch_types=(
            [pltpu.VMEM((nch, CI), jnp.int32) for _ in range(2)]
            + [pltpu.VMEM((CI, d), jnp.float32) for _ in range(2 * NB)]
            + [pltpu.SemaphoreType.DMA for _ in range(2 * NB + 1)]
        ),
    )
    def emb_kernel(t_hbm, xf_hbm, om_hbm, o_hbm, idx_v, om_v,
                   *bufs_and_sems):
        gbuf = bufs_and_sems[:NB]
        obuf = bufs_and_sems[NB:2 * NB]
        gsem = bufs_and_sems[2 * NB:3 * NB]
        osem = bufs_and_sems[3 * NB:4 * NB]
        isem = bufs_and_sems[4 * NB]

        wid = lax.axis_index("s") * NC + lax.axis_index("c")

        pltpu.async_copy(xf_hbm.at[wid], idx_v, isem)
        pltpu.async_copy(om_hbm.at[wid], om_v, isem)
        pltpu.make_async_copy(xf_hbm.at[wid], idx_v, isem).wait()
        pltpu.make_async_copy(om_hbm.at[wid], om_v, isem).wait()

        def issue_gather(j, c):
            pltpu.async_copy(t_hbm.at[idx_v.at[c]], gbuf[j], gsem[j])

        def wait_gather(j, c):
            pltpu.make_async_copy(t_hbm.at[idx_v.at[c]], gbuf[j],
                                  gsem[j]).wait()

        def issue_out(j, c):
            pltpu.async_copy(obuf[j], o_hbm.at[om_v.at[c]], osem[j])

        def wait_out(j, c):
            pltpu.make_async_copy(obuf[j], o_hbm.at[om_v.at[c]],
                                  osem[j]).wait()

        for j in range(NB):
            issue_gather(j, j)

        @pl.loop(0, nch, step=NB)
        def _(c0):
            for j in range(NB):
                c = c0 + j
                wait_gather(j, c)

                @pl.when(c >= NB)
                def _():
                    wait_out(j, c - NB)

                @pl.loop(0, CI)
                def _(r):
                    for cc in range(0, d, 16):
                        obuf[j][r, pl.ds(cc, 16)] = (
                            gbuf[j][r, pl.ds(cc, 16)] * scale)

                @pl.when(c + NB < nch)
                def _():
                    issue_gather(j, c + NB)

                issue_out(j, c)

        for j in range(NB):
            wait_out(j, nch - NB + j)

    y = emb_kernel(table, x2, omap)
    return y.reshape(s, b, d).transpose(1, 0, 2)

# --- scband reference (transcript-rebuilt; emitter-appended) ---
"""Pipeline reference for scband-embedding-40827959116583 (READ-ONLY COPY).

The authoritative reference and input builder live on the scoring server;
editing this copy changes nothing except your own understanding.
"""

import jax, jax.numpy as jnp
import numpy as np

VOCAB = 100000
D_MODEL = 128
PADDING_IDX = 0


def setup_inputs(seed: int = 0) -> dict:
    key = jax.random.key(seed)
    k1, k2 = jax.random.split(key)
    x = jax.random.randint(k1, (4096, 50), 0, VOCAB, dtype=jnp.int32)
    table = jax.random.normal(k2, (VOCAB, D_MODEL), dtype=jnp.float32)
    # nn.Embedding with padding_idx zero-initializes that row
    table = table.at[PADDING_IDX].set(0.0)
    return {"x": x, "table": table}


def reference(x, table):
    scale = D_MODEL ** 0.5
    emb = jnp.take(table, x, axis=0)
    return emb * scale

if __name__ == "__main__":
    import jax
    _d = setup_inputs()
    print(jax.jit(kernel)(*tuple(_d.values())))

</pallas_src>

<mosaic_0001>
#map = affine_map<(d0, d1) -> (0, 0)>
#map1 = affine_map<(d0, d1) -> (0, 0, 0)>
module attributes {stable_mosaic.version = 14 : i64} {
  func.func @emb_kernel(%arg0: i32, %arg1: i32, %arg2: memref<100000x128xf32, #tpu.memory_space<hbm>>, %arg3: memref<32x100x64xi32, #tpu.memory_space<hbm>>, %arg4: memref<32x100x64xi32, #tpu.memory_space<hbm>>, %arg5: memref<204800x128xf32, #tpu.memory_space<hbm>>, %arg6: memref<100x64xi32, #tpu.memory_space<vmem>>, %arg7: memref<100x64xi32, #tpu.memory_space<vmem>>, %arg8: memref<64x128xf32, #tpu.memory_space<vmem>>, %arg9: memref<64x128xf32, #tpu.memory_space<vmem>>, %arg10: memref<64x128xf32, #tpu.memory_space<vmem>>, %arg11: memref<64x128xf32, #tpu.memory_space<vmem>>, %arg12: memref<64x128xf32, #tpu.memory_space<vmem>>, %arg13: memref<64x128xf32, #tpu.memory_space<vmem>>, %arg14: memref<64x128xf32, #tpu.memory_space<vmem>>, %arg15: memref<64x128xf32, #tpu.memory_space<vmem>>, %arg16: memref<!tpu.dma_semaphore, #tpu.memory_space<semaphore_mem>>, %arg17: memref<!tpu.dma_semaphore, #tpu.memory_space<semaphore_mem>>, %arg18: memref<!tpu.dma_semaphore, #tpu.memory_space<semaphore_mem>>, %arg19: memref<!tpu.dma_semaphore, #tpu.memory_space<semaphore_mem>>, %arg20: memref<!tpu.dma_semaphore, #tpu.memory_space<semaphore_mem>>, %arg21: memref<!tpu.dma_semaphore, #tpu.memory_space<semaphore_mem>>, %arg22: memref<!tpu.dma_semaphore, #tpu.memory_space<semaphore_mem>>, %arg23: memref<!tpu.dma_semaphore, #tpu.memory_space<semaphore_mem>>, %arg24: memref<!tpu.dma_semaphore, #tpu.memory_space<semaphore_mem>>) attributes {dimension_semantics = [#tpu.dimension_semantics<core_parallel>, #tpu.dimension_semantics<subcore_parallel>], iteration_bounds = array<i64: 2, 16>, scalar_prefetch = 0 : i64, scratch_operands = 19 : i64, tpu.core_type = #tpu.core_type<sc_vector_subcore>, window_params = [{transform_indices = #map}, {transform_indices = #map1}, {transform_indices = #map1}, {transform_indices = #map}]} {
    %mul3A = arith.constant 2 : i32
    %mul3A_0 = arith.muli %arg1, %mul3A : i32
    %add3A = arith.addi %mul3A_0, %arg0 : i32
    %dma_start3A = arith.constant 0 : i32
    %dma_start3A_1 = arith.constant 0 : i32
    %dma_start3A_2 = tpu.memref_slice %arg3[%add3A, %dma_start3A, %dma_start3A_1] : memref<32x100x64xi32, #tpu.memory_space<hbm>> -> memref<1x100x64xi32, #tpu.memory_space<hbm>>
    %dma_start3A_3 = tpu.memref_squeeze %dma_start3A_2 : memref<1x100x64xi32, #tpu.memory_space<hbm>> -> memref<100x64xi32, #tpu.memory_space<hbm>>
    %dma_start3A_4 = arith.constant 0 : i32
    %dma_start3A_5 = arith.constant 0 : i32
    %dma_start3A_6 = tpu.memref_slice %arg3[%add3A, %dma_start3A_4, %dma_start3A_5] : memref<32x100x64xi32, #tpu.memory_space<hbm>> -> memref<1x100x64xi32, #tpu.memory_space<hbm>>
    %dma_start3A_7 = tpu.memref_squeeze %dma_start3A_6 : memref<1x100x64xi32, #tpu.memory_space<hbm>> -> memref<100x64xi32, #tpu.memory_space<hbm>>
    tpu.enqueue_dma source(%dma_start3A_7 : memref<100x64xi32, #tpu.memory_space<hbm>>) target(%arg6 : memref<100x64xi32, #tpu.memory_space<vmem>>) target_semaphore(%arg24 : memref<!tpu.dma_semaphore, #tpu.memory_space<semaphore_mem>>)
    %dma_start3A_8 = arith.constant 0 : i32
    %dma_start3A_9 = arith.constant 0 : i32
    %dma_start3A_10 = tpu.memref_slice %arg4[%add3A, %dma_start3A_8, %dma_start3A_9] : memref<32x100x64xi32, #tpu.memory_space<hbm>> -> memref<1x100x64xi32, #tpu.memory_space<hbm>>
    %dma_start3A_11 = tpu.memref_squeeze %dma_start3A_10 : memref<1x100x64xi32, #tpu.memory_space<hbm>> -> memref<100x64xi32, #tpu.memory_space<hbm>>
    %dma_start3A_12 = arith.constant 0 : i32
    %dma_start3A_13 = arith.constant 0 : i32
    %dma_start3A_14 = tpu.memref_slice %arg4[%add3A, %dma_start3A_12, %dma_start3A_13] : memref<32x100x64xi32, #tpu.memory_space<hbm>> -> memref<1x100x64xi32, #tpu.memory_space<hbm>>
    %dma_start3A_15 = tpu.memref_squeeze %dma_start3A_14 : memref<1x100x64xi32, #tpu.memory_space<hbm>> -> memref<100x64xi32, #tpu.memory_space<hbm>>
    tpu.enqueue_dma source(%dma_start3A_15 : memref<100x64xi32, #tpu.memory_space<hbm>>) target(%arg7 : memref<100x64xi32, #tpu.memory_space<vmem>>) target_semaphore(%arg24 : memref<!tpu.dma_semaphore, #tpu.memory_space<semaphore_mem>>)
    %dma_wait3A = arith.constant 0 : i32
    %dma_wait3A_16 = arith.constant 0 : i32
    %dma_wait3A_17 = tpu.memref_slice %arg3[%add3A, %dma_wait3A, %dma_wait3A_16] : memref<32x100x64xi32, #tpu.memory_space<hbm>> -> memref<1x100x64xi32, #tpu.memory_space<hbm>>
    %dma_wait3A_18 = tpu.memref_squeeze %dma_wait3A_17 : memref<1x100x64xi32, #tpu.memory_space<hbm>> -> memref<100x64xi32, #tpu.memory_space<hbm>>
    %dma_wait3A_19 = arith.constant 0 : i32
    %dma_wait3A_20 = arith.constant 0 : i32
    %dma_wait3A_21 = tpu.memref_slice %arg3[%add3A, %dma_wait3A_19, %dma_wait3A_20] : memref<32x100x64xi32, #tpu.memory_space<hbm>> -> memref<1x100x64xi32, #tpu.memory_space<hbm>>
    %dma_wait3A_22 = tpu.memref_squeeze %dma_wait3A_21 : memref<1x100x64xi32, #tpu.memory_space<hbm>> -> memref<100x64xi32, #tpu.memory_space<hbm>>
    tpu.wait_dma2 semaphore(%arg24 : memref<!tpu.dma_semaphore, #tpu.memory_space<semaphore_mem>>) src(%dma_wait3A_22 : memref<100x64xi32, #tpu.memory_space<hbm>>) dst(%arg6 : memref<100x64xi32, #tpu.memory_space<vmem>>)
    %dma_wait3A_23 = arith.constant 0 : i32
    %dma_wait3A_24 = arith.constant 0 : i32
    %dma_wait3A_25 = tpu.memref_slice %arg4[%add3A, %dma_wait3A_23, %dma_wait3A_24] : memref<32x100x64xi32, #tpu.memory_space<hbm>> -> memref<1x100x64xi32, #tpu.memory_space<hbm>>
    %dma_wait3A_26 = tpu.memref_squeeze %dma_wait3A_25 : memref<1x100x64xi32, #tpu.memory_space<hbm>> -> memref<100x64xi32, #tpu.memory_space<hbm>>
    %dma_wait3A_27 = arith.constant 0 : i32
    %dma_wait3A_28 = arith.constant 0 : i32
    %dma_wait3A_29 = tpu.memref_slice %arg4[%add3A, %dma_wait3A_27, %dma_wait3A_28] : memref<32x100x64xi32, #tpu.memory_space<hbm>> -> memref<1x100x64xi32, #tpu.memory_space<hbm>>
    %dma_wait3A_30 = tpu.memref_squeeze %dma_wait3A_29 : memref<1x100x64xi32, #tpu.memory_space<hbm>> -> memref<100x64xi32, #tpu.memory_space<hbm>>
    tpu.wait_dma2 semaphore(%arg24 : memref<!tpu.dma_semaphore, #tpu.memory_space<semaphore_mem>>) src(%dma_wait3A_30 : memref<100x64xi32, #tpu.memory_space<hbm>>) dst(%arg7 : memref<100x64xi32, #tpu.memory_space<vmem>>)
    %dma_start3A_31 = arith.constant 0 : i32
    %dma_start3A_32 = arith.constant 0 : i32
    %dma_start3A_33 = tpu.memref_slice %arg6[%dma_start3A_31, %dma_start3A_32] : memref<100x64xi32, #tpu.memory_space<vmem>> -> memref<1x64xi32, #tpu.memory_space<vmem>>
    %dma_start3A_34 = tpu.memref_squeeze %dma_start3A_33 : memref<1x64xi32, #tpu.memory_space<vmem>> -> memref<64xi32, #tpu.memory_space<vmem>>
    %dma_start3A_35 = arith.constant 0 : i32
    %dma_start3A_36 = arith.constant 0 : i32
    %dma_start3A_37 = tpu.memref_slice %arg2[%dma_start3A_35, %dma_start3A_36] : memref<100000x128xf32, #tpu.memory_space<hbm>> -> memref<100000x128xf32, #tpu.memory_space<hbm>>
    tpu.enqueue_indirect_dma source(%dma_start3A_37 : memref<100000x128xf32, #tpu.memory_space<hbm>>) target(%arg8 : memref<64x128xf32, #tpu.memory_space<vmem>>) offsets(%dma_start3A_34 : memref<64xi32, #tpu.memory_space<vmem>>) semaphore(%arg16 : memref<!tpu.dma_semaphore, #tpu.memory_space<semaphore_mem>>)
    %dma_start3A_38 = arith.constant 1 : i32
    %dma_start3A_39 = arith.constant 0 : i32
    %dma_start3A_40 = tpu.memref_slice %arg6[%dma_start3A_38, %dma_start3A_39] : memref<100x64xi32, #tpu.memory_space<vmem>> -> memref<1x64xi32, #tpu.memory_space<vmem>>
    %dma_start3A_41 = tpu.memref_squeeze %dma_start3A_40 : memref<1x64xi32, #tpu.memory_space<vmem>> -> memref<64xi32, #tpu.memory_space<vmem>>
    %dma_start3A_42 = arith.constant 0 : i32
    %dma_start3A_43 = arith.constant 0 : i32
    %dma_start3A_44 = tpu.memref_slice %arg2[%dma_start3A_42, %dma_start3A_43] : memref<100000x128xf32, #tpu.memory_space<hbm>> -> memref<100000x128xf32, #tpu.memory_space<hbm>>
    tpu.enqueue_indirect_dma source(%dma_start3A_44 : memref<100000x128xf32, #tpu.memory_space<hbm>>) target(%arg9 : memref<64x128xf32, #tpu.memory_space<vmem>>) offsets(%dma_start3A_41 : memref<64xi32, #tpu.memory_space<vmem>>) semaphore(%arg17 : memref<!tpu.dma_semaphore, #tpu.memory_space<semaphore_mem>>)
    %dma_start3A_45 = arith.constant 2 : i32
    %dma_start3A_46 = arith.constant 0 : i32
    %dma_start3A_47 = tpu.memref_slice %arg6[%dma_start3A_45, %dma_start3A_46] : memref<100x64xi32, #tpu.memory_space<vmem>> -> memref<1x64xi32, #tpu.memory_space<vmem>>
    %dma_start3A_48 = tpu.memref_squeeze %dma_start3A_47 : memref<1x64xi32, #tpu.memory_space<vmem>> -> memref<64xi32, #tpu.memory_space<vmem>>
    %dma_start3A_49 = arith.constant 0 : i32
    %dma_start3A_50 = arith.constant 0 : i32
    %dma_start3A_51 = tpu.memref_slice %arg2[%dma_start3A_49, %dma_start3A_50] : memref<100000x128xf32, #tpu.memory_space<hbm>> -> memref<100000x128xf32, #tpu.memory_space<hbm>>
    tpu.enqueue_indirect_dma source(%dma_start3A_51 : memref<100000x128xf32, #tpu.memory_space<hbm>>) target(%arg10 : memref<64x128xf32, #tpu.memory_space<vmem>>) offsets(%dma_start3A_48 : memref<64xi32, #tpu.memory_space<vmem>>) semaphore(%arg18 : memref<!tpu.dma_semaphore, #tpu.memory_space<semaphore_mem>>)
    %dma_start3A_52 = arith.constant 3 : i32
    %dma_start3A_53 = arith.constant 0 : i32
    %dma_start3A_54 = tpu.memref_slice %arg6[%dma_start3A_52, %dma_start3A_53] : memref<100x64xi32, #tpu.memory_space<vmem>> -> memref<1x64xi32, #tpu.memory_space<vmem>>
    %dma_start3A_55 = tpu.memref_squeeze %dma_start3A_54 : memref<1x64xi32, #tpu.memory_space<vmem>> -> memref<64xi32, #tpu.memory_space<vmem>>
    %dma_start3A_56 = arith.constant 0 : i32
    %dma_start3A_57 = arith.constant 0 : i32
    %dma_start3A_58 = tpu.memref_slice %arg2[%dma_start3A_56, %dma_start3A_57] : memref<100000x128xf32, #tpu.memory_space<hbm>> -> memref<100000x128xf32, #tpu.memory_space<hbm>>
    tpu.enqueue_indirect_dma source(%dma_start3A_58 : memref<100000x128xf32, #tpu.memory_space<hbm>>) target(%arg11 : memref<64x128xf32, #tpu.memory_space<vmem>>) offsets(%dma_start3A_55 : memref<64xi32, #tpu.memory_space<vmem>>) semaphore(%arg19 : memref<!tpu.dma_semaphore, #tpu.memory_space<semaphore_mem>>)
    %scan3A = arith.constant 0 : i32
    %scan3A_59 = arith.constant 25 : i32
    %scan3A_60 = arith.addi %scan3A, %scan3A_59 : i32
    %scan3A_61 = arith.constant 1 : i32
    scf.for %scan3A_91 = %scan3A to %scan3A_60 step %scan3A_61  : i32 {
      %mul3A_92 = arith.constant 4 : i32
      %mul3A_93 = arith.muli %scan3A_91, %mul3A_92 : i32
      %add3A_94 = arith.constant 0 : i32
      %add3A_95 = arith.addi %add3A_94, %mul3A_93 : i32
      %add3A_96 = arith.constant 0 : i32
      %add3A_97 = arith.addi %add3A_95, %add3A_96 : i32
      %dma_wait3A_98 = arith.constant 0 : i32
      %dma_wait3A_99 = tpu.memref_slice %arg6[%add3A_97, %dma_wait3A_98] : memref<100x64xi32, #tpu.memory_space<vmem>> -> memref<1x64xi32, #tpu.memory_space<vmem>>
      %dma_wait3A_100 = tpu.memref_squeeze %dma_wait3A_99 : memref<1x64xi32, #tpu.memory_space<vmem>> -> memref<64xi32, #tpu.memory_space<vmem>>
      %dma_wait3A_101 = arith.constant 0 : i32
      %dma_wait3A_102 = arith.constant 0 : i32
      %dma_wait3A_103 = tpu.memref_slice %arg2[%dma_wait3A_101, %dma_wait3A_102] : memref<100000x128xf32, #tpu.memory_space<hbm>> -> memref<100000x128xf32, #tpu.memory_space<hbm>>
      tpu.wait_indirect_dma semaphore(%arg16 : memref<!tpu.dma_semaphore, #tpu.memory_space<semaphore_mem>>) src(%dma_wait3A_103 : memref<100000x128xf32, #tpu.memory_space<hbm>>) dst(%arg8 : memref<64x128xf32, #tpu.memory_space<vmem>>)
      %ge3A = arith.constant 4 : i32
      %ge3A_104 = arith.cmpi sge, %add3A_97, %ge3A : i32
      %convert_element_type3A = arith.extui %ge3A_104 : i1 to i32
      %cond3A = arith.constant 0 : i32
      %cond3A_105 = arith.cmpi ne, %convert_element_type3A, %cond3A : i32
      scf.if %cond3A_105 {
        %sub3A = arith.constant 4 : i32
        %sub3A_216 = arith.subi %add3A_97, %sub3A : i32
        %dma_wait3A_217 = arith.constant 0 : i32
        %dma_wait3A_218 = tpu.memref_slice %arg7[%sub3A_216, %dma_wait3A_217] : memref<100x64xi32, #tpu.memory_space<vmem>> -> memref<1x64xi32, #tpu.memory_space<vmem>>
        %dma_wait3A_219 = tpu.memref_squeeze %dma_wait3A_218 : memref<1x64xi32, #tpu.memory_space<vmem>> -> memref<64xi32, #tpu.memory_space<vmem>>
        %dma_wait3A_220 = arith.constant 0 : i32
        %dma_wait3A_221 = arith.constant 0 : i32
        %dma_wait3A_222 = tpu.memref_slice %arg5[%dma_wait3A_220, %dma_wait3A_221] : memref<204800x128xf32, #tpu.memory_space<hbm>> -> memref<204800x128xf32, #tpu.memory_space<hbm>>
        tpu.wait_indirect_dma semaphore(%arg20 : memref<!tpu.dma_semaphore, #tpu.memory_space<semaphore_mem>>) src(%arg12 : memref<64x128xf32, #tpu.memory_space<vmem>>) dst(%dma_wait3A_222 : memref<204800x128xf32, #tpu.memory_space<hbm>>)
      } else {
      }
      %scan3A_106 = arith.constant 0 : i32
      %scan3A_107 = arith.constant 64 : i32
      %scan3A_108 = arith.addi %scan3A_106, %scan3A_107 : i32
      %scan3A_109 = arith.constant 1 : i32
      scf.for %scan3A_216 = %scan3A_106 to %scan3A_108 step %scan3A_109  : i32 {
        %mul3A_217 = arith.constant 1 : i32
        %mul3A_218 = arith.muli %scan3A_216, %mul3A_217 : i32
        %add3A_219 = arith.constant 0 : i32
        %add3A_220 = arith.addi %add3A_219, %mul3A_218 : i32
        %get3A = arith.index_cast %add3A_220 : i32 to index
        %get3A_221 = arith.constant 0 : index
        %get3A_222 = tpu.vector_load %arg8[%get3A, %get3A_221] {strides = array<i32>} : memref<64x128xf32, #tpu.memory_space<vmem>>, vector<1x16xf32>,
        %get3A_223 = vector.shape_cast %get3A_222 : vector<1x16xf32> to vector<16xf32>
        %mul3A_224 = arith.constant 11.3137083 : f32
        %mul3A_225 = vector.broadcast %mul3A_224 : f32 to vector<16xf32>
        %mul3A_226 = arith.mulf %get3A_223, %mul3A_225 : vector<16xf32>
        %swap3A = arith.index_cast %add3A_220 : i32 to index
        %swap3A_227 = arith.constant 0 : index
        %swap3A_228 = tpu.vector_load %arg12[%swap3A, %swap3A_227] {strides = array<i32>} : memref<64x128xf32, #tpu.memory_space<vmem>>, vector<1x16xf32>,
        %swap3A_229 = vector.shape_cast %swap3A_228 : vector<1x16xf32> to vector<16xf32>
        %swap3A_230 = vector.shape_cast %mul3A_226 : vector<16xf32> to vector<1x16xf32>
        tpu.vector_store %arg12[%swap3A, %swap3A_227], %swap3A_230 {strides = array<i32>} : memref<64x128xf32, #tpu.memory_space<vmem>>, vector<1x16xf32>,
        %get3A_231 = arith.index_cast %add3A_220 : i32 to index
        %get3A_232 = arith.constant 16 : index
        %get3A_233 = tpu.vector_load %arg8[%get3A_231, %get3A_232] {strides = array<i32>} : memref<64x128xf32, #tpu.memory_space<vmem>>, vector<1x16xf32>,
        %get3A_234 = vector.shape_cast %get3A_233 : vector<1x16xf32> to vector<16xf32>
        %mul3A_235 = arith.constant 11.3137083 : f32
        %mul3A_236 = vector.broadcast %mul3A_235 : f32 to vector<16xf32>
        %mul3A_237 = arith.mulf %get3A_234, %mul3A_236 : vector<16xf32>
        %swap3A_238 = arith.index_cast %add3A_220 : i32 to index
        %swap3A_239 = arith.constant 16 : index
        %swap3A_240 = tpu.vector_load %arg12[%swap3A_238, %swap3A_239] {strides = array<i32>} : memref<64x128xf32, #tpu.memory_space<vmem>>, vector<1x16xf32>,
        %swap3A_241 = vector.shape_cast %swap3A_240 : vector<1x16xf32> to vector<16xf32>
        %swap3A_242 = vector.shape_cast %mul3A_237 : vector<16xf32> to vector<1x16xf32>
        tpu.vector_store %arg12[%swap3A_238, %swap3A_239], %swap3A_242 {strides = array<i32>} : memref<64x128xf32, #tpu.memory_space<vmem>>, vector<1x16xf32>,
        %get3A_243 = arith.index_cast %add3A_220 : i32 to index
        %get3A_244 = arith.constant 32 : index
        %get3A_245 = tpu.vector_load %arg8[%get3A_243, %get3A_244] {strides = array<i32>} : memref<64x128xf32, #tpu.memory_space<vmem>>, vector<1x16xf32>,
        %get3A_246 = vector.shape_cast %get3A_245 : vector<1x16xf32> to vector<16xf32>
        %mul3A_247 = arith.constant 11.3137083 : f32
        %mul3A_248 = vector.broadcast %mul3A_247 : f32 to vector<16xf32>
        %mul3A_249 = arith.mulf %get3A_246, %mul3A_248 : vector<16xf32>
        %swap3A_250 = arith.index_cast %add3A_220 : i32 to index
        %swap3A_251 = arith.constant 32 : index
        %swap3A_252 = tpu.vector_load %arg12[%swap3A_250, %swap3A_251] {strides = array<i32>} : memref<64x128xf32, #tpu.memory_space<vmem>>, vector<1x16xf32>,
        %swap3A_253 = vector.shape_cast %swap3A_252 : vector<1x16xf32> to vector<16xf32>
        %swap3A_254 = vector.shape_cast %mul3A_249 : vector<16xf32> to vector<1x16xf32>
        tpu.vector_store %arg12[%swap3A_250, %swap3A_251], %swap3A_254 {strides = array<i32>} : memref<64x128xf32, #tpu.memory_space<vmem>>, vector<1x16xf32>,
        %get3A_255 = arith.index_cast %add3A_220 : i32 to index
        %get3A_256 = arith.constant 48 : index
        %get3A_257 = tpu.vector_load %arg8[%get3A_255, %get3A_256] {strides = array<i32>} : memref<64x128xf32, #tpu.memory_space<vmem>>, vector<1x16xf32>,
        %get3A_258 = vector.shape_cast %get3A_257 : vector<1x16xf32> to vector<16xf32>
        %mul3A_259 = arith.constant 11.3137083 : f32
        %mul3A_260 = vector.broadcast %mul3A_259 : f32 to vector<16xf32>
        %mul3A_261 = arith.mulf %get3A_258, %mul3A_260 : vector<16xf32>
        %swap3A_262 = arith.index_cast %add3A_220 : i32 to index
        %swap3A_263 = arith.constant 48 : index
        %swap3A_264 = tpu.vector_load %arg12[%swap3A_262, %swap3A_263] {strides = array<i32>} : memref<64x128xf32, #tpu.memory_space<vmem>>, vector<1x16xf32>,
        %swap3A_265 = vector.shape_cast %swap3A_264 : vector<1x16xf32> to vector<16xf32>
        %swap3A_266 = vector.shape_cast %mul3A_261 : vector<16xf32> to vector<1x16xf32>
        tpu.vector_store %arg12[%swap3A_262, %swap3A_263], %swap3A_266 {strides = array<i32>} : memref<64x128xf32, #tpu.memory_space<vmem>>, vector<1x16xf32>,
        %get3A_267 = arith.index_cast %add3A_220 : i32 to index
        %get3A_268 = arith.constant 64 : index
        %get3A_269 = tpu.vector_load %arg8[%get3A_267, %get3A_268] {strides = array<i32>} : memref<64x128xf32, #tpu.memory_space<vmem>>, vector<1x16xf32>,
        %get3A_270 = vector.shape_cast %get3A_269 : vector<1x16xf32> to vector<16xf32>
        %mul3A_271 = arith.constant 11.3137083 : f32
        %mul3A_272 = vector.broadcast %mul3A_271 : f32 to vector<16xf32>
        %mul3A_273 = arith.mulf %get3A_270, %mul3A_272 : vector<16xf32>
        %swap3A_274 = arith.index_cast %add3A_220 : i32 to index
        %swap3A_275 = arith.constant 64 : index
        %swap3A_276 = tpu.vector_load %arg12[%swap3A_274, %swap3A_275] {strides = array<i32>} : memref<64x128xf32, #tpu.memory_space<vmem>>, vector<1x16xf32>,
        %swap3A_277 = vector.shape_cast %swap3A_276 : vector<1x16xf32> to vector<16xf32>
        %swap3A_278 = vector.shape_cast %mul3A_273 : vector<16xf32> to vector<1x16xf32>
        tpu.vector_store %arg12[%swap3A_274, %swap3A_275], %swap3A_278 {strides = array<i32>} : memref<64x128xf32, #tpu.memory_space<vmem>>, vector<1x16xf32>,
        %get3A_279 = arith.index_cast %add3A_220 : i32 to index
        %get3A_280 = arith.constant 80 : index
        %get3A_281 = tpu.vector_load %arg8[%get3A_279, %get3A_280] {strides = array<i32>} : memref<64x128xf32, #tpu.memory_space<vmem>>, vector<1x16xf32>,
        %get3A_282 = vector.shape_cast %get3A_281 : vector<1x16xf32> to vector<16xf32>
        %mul3A_283 = arith.constant 11.3137083 : f32
        %mul3A_284 = vector.broadcast %mul3A_283 : f32 to vector<16xf32>
        %mul3A_285 = arith.mulf %get3A_282, %mul3A_284 : vector<16xf32>
        %swap3A_286 = arith.index_cast %add3A_220 : i32 to index
        %swap3A_287 = arith.constant 80 : index
        %swap3A_288 = tpu.vector_load %arg12[%swap3A_286, %swap3A_287] {strides = array<i32>} : memref<64x128xf32, #tpu.memory_space<vmem>>, vector<1x16xf32>,
        %swap3A_289 = vector.shape_cast %swap3A_288 : vector<1x16xf32> to vector<16xf32>
        %swap3A_290 = vector.shape_cast %mul3A_285 : vector<16xf32> to vector<1x16xf32>
        tpu.vector_store %arg12[%swap3A_286, %swap3A_287], %swap3A_290 {strides = array<i32>} : memref<64x128xf32, #tpu.memory_space<vmem>>, vector<1x16xf32>,
        %get3A_291 = arith.index_cast %add3A_220 : i32 to index
        %get3A_292 = arith.constant 96 : index
        %get3A_293 = tpu.vector_load %arg8[%get3A_291, %get3A_292] {strides = array<i32>} : memref<64x128xf32, #tpu.memory_space<vmem>>, vector<1x16xf32>,
        %get3A_294 = vector.shape_cast %get3A_293 : vector<1x16xf32> to vector<16xf32>
        %mul3A_295 = arith.constant 11.3137083 : f32
        %mul3A_296 = vector.broadcast %mul3A_295 : f32 to vector<16xf32>
        %mul3A_297 = arith.mulf %get3A_294, %mul3A_296 : vector<16xf32>
        %swap3A_298 = arith.index_cast %add3A_220 : i32 to index
        %swap3A_299 = arith.constant 96 : index
        %swap3A_300 = tpu.vector_load %arg12[%swap3A_298, %swap3A_299] {strides = array<i32>} : memref<64x128xf32, #tpu.memory_space<vmem>>, vector<1x16xf32>,
        %swap3A_301 = vector.shape_cast %swap3A_300 : vector<1x16xf32> to vector<16xf32>
        %swap3A_302 = vector.shape_cast %mul3A_297 : vector<16xf32> to vector<1x16xf32>
        tpu.vector_store %arg12[%swap3A_298, %swap3A_299], %swap3A_302 {strides = array<i32>} : memref<64x128xf32, #tpu.memory_space<vmem>>, vector<1x16xf32>,
        %get3A_303 = arith.index_cast %add3A_220 : i32 to index
        %get3A_304 = arith.constant 112 : index
        %get3A_305 = tpu.vector_load %arg8[%get3A_303, %get3A_304] {strides = array<i32>} : memref<64x128xf32, #tpu.memory_space<vmem>>, vector<1x16xf32>,
        %get3A_306 = vector.shape_cast %get3A_305 : vector<1x16xf32> to vector<16xf32>
        %mul3A_307 = arith.constant 11.3137083 : f32
        %mul3A_308 = vector.broadcast %mul3A_307 : f32 to vector<16xf32>
        %mul3A_309 = arith.mulf %get3A_306, %mul3A_308 : vector<16xf32>
        %swap3A_310 = arith.index_cast %add3A_220 : i32 to index
        %swap3A_311 = arith.constant 112 : index
        %swap3A_312 = tpu.vector_load %arg12[%swap3A_310, %swap3A_311] {strides = array<i32>} : memref<64x128xf32, #tpu.memory_space<vmem>>, vector<1x16xf32>,
        %swap3A_313 = vector.shape_cast %swap3A_312 : vector<1x16xf32> to vector<16xf32>
        %swap3A_314 = vector.shape_cast %mul3A_309 : vector<16xf32> to vector<1x16xf32>
        tpu.vector_store %arg12[%swap3A_310, %swap3A_311], %swap3A_314 {strides = array<i32>} : memref<64x128xf32, #tpu.memory_space<vmem>>, vector<1x16xf32>,
      }
      %scan3A_110 = arith.constant 64 : i32
      %add3A_111 = arith.constant 4 : i32
      %add3A_112 = arith.addi %add3A_97, %add3A_111 : i32
      %lt3A = arith.constant 100 : i32
      %lt3A_113 = arith.cmpi slt, %add3A_112, %lt3A : i32
      %convert_element_type3A_114 = arith.extui %lt3A_113 : i1 to i32
      %cond3A_115 = arith.constant 0 : i32
      %cond3A_116 = arith.cmpi ne, %convert_element_type3A_114, %cond3A_115 : i32
      scf.if %cond3A_116 {
        %add3A_216 = arith.constant 4 : i32
        %add3A_217 = arith.addi %add3A_97, %add3A_216 : i32
        %dma_start3A_218 = arith.constant 0 : i32
        %dma_start3A_219 = tpu.memref_slice %arg6[%add3A_217, %dma_start3A_218] : memref<100x64xi32, #tpu.memory_space<vmem>> -> memref<1x64xi32, #tpu.memory_space<vmem>>
        %dma_start3A_220 = tpu.memref_squeeze %dma_start3A_219 : memref<1x64xi32, #tpu.memory_space<vmem>> -> memref<64xi32, #tpu.memory_space<vmem>>
        %dma_start3A_221 = arith.constant 0 : i32
        %dma_start3A_222 = arith.constant 0 : i32
        %dma_start3A_223 = tpu.memref_slice %arg2[%dma_start3A_221, %dma_start3A_222] : memref<100000x128xf32, #tpu.memory_space<hbm>> -> memref<100000x128xf32, #tpu.memory_space<hbm>>
        tpu.enqueue_indirect_dma source(%dma_start3A_223 : memref<100000x128xf32, #tpu.memory_space<hbm>>) target(%arg8 : memref<64x128xf32, #tpu.memory_space<vmem>>) offsets(%dma_start3A_220 : memref<64xi32, #tpu.memory_space<vmem>>) semaphore(%arg16 : memref<!tpu.dma_semaphore, #tpu.memory_space<semaphore_mem>>)
      } else {
      }
      %dma_start3A_117 = arith.constant 0 : i32
      %dma_start3A_118 = tpu.memref_slice %arg7[%add3A_97, %dma_start3A_117] : memref<100x64xi32, #tpu.memory_space<vmem>> -> memref<1x64xi32, #tpu.memory_space<vmem>>
      %dma_start3A_119 = tpu.memref_squeeze %dma_start3A_118 : memref<1x64xi32, #tpu.memory_space<vmem>> -> memref<64xi32, #tpu.memory_space<vmem>>
      %dma_start3A_120 = arith.constant 0 : i32
      %dma_start3A_121 = arith.constant 0 : i32
      %dma_start3A_122 = tpu.memref_slice %arg5[%dma_start3A_120, %dma_start3A_121] : memref<204800x128xf32, #tpu.memory_space<hbm>> -> memref<204800x128xf32, #tpu.memory_space<hbm>>
      tpu.enqueue_indirect_dma source(%arg12 : memref<64x128xf32, #tpu.memory_space<vmem>>) target(%dma_start3A_122 : memref<204800x128xf32, #tpu.memory_space<hbm>>) offsets(%dma_start3A_119 : memref<64xi32, #tpu.memory_space<vmem>>) semaphore(%arg20 : memref<!tpu.dma_semaphore, #tpu.memory_space<semaphore_mem>>)
      %add3A_123 = arith.constant 1 : i32
      %add3A_124 = arith.addi %add3A_95, %add3A_123 : i32
      %dma_wait3A_125 = arith.constant 0 : i32
      %dma_wait3A_126 = tpu.memref_slice %arg6[%add3A_124, %dma_wait3A_125] : memref<100x64xi32, #tpu.memory_space<vmem>> -> memref<1x64xi32, #tpu.memory_space<vmem>>
      %dma_wait3A_127 = tpu.memref_squeeze %dma_wait3A_126 : memref<1x64xi32, #tpu.memory_space<vmem>> -> memref<64xi32, #tpu.memory_space<vmem>>
      %dma_wait3A_128 = arith.constant 0 : i32
      %dma_wait3A_129 = arith.constant 0 : i32
      %dma_wait3A_130 = tpu.memref_slice %arg2[%dma_wait3A_128, %dma_wait3A_129] : memref<100000x128xf32, #tpu.memory_space<hbm>> -> memref<100000x128xf32, #tpu.memory_space<hbm>>
      tpu.wait_indirect_dma semaphore(%arg17 : memref<!tpu.dma_semaphore, #tpu.memory_space<semaphore_mem>>) src(%dma_wait3A_130 : memref<100000x128xf32, #tpu.memory_space<hbm>>) dst(%arg9 : memref<64x128xf32, #tpu.memory_space<vmem>>)
      %ge3A_131 = arith.constant 4 : i32
      %ge3A_132 = arith.cmpi sge, %add3A_124, %ge3A_131 : i32
      %convert_element_type3A_133 = arith.extui %ge3A_132 : i1 to i32
      %cond3A_134 = arith.constant 0 : i32
      %cond3A_135 = arith.cmpi ne, %convert_element_type3A_133, %cond3A_134 : i32
      scf.if %cond3A_135 {
        %sub3A = arith.constant 4 : i32
        %sub3A_216 = arith.subi %add3A_124, %sub3A : i32
        %dma_wait3A_217 = arith.constant 0 : i32
        %dma_wait3A_218 = tpu.memref_slice %arg7[%sub3A_216, %dma_wait3A_217] : memref<100x64xi32, #tpu.memory_space<vmem>> -> memref<1x64xi32, #tpu.memory_space<vmem>>
        %dma_wait3A_219 = tpu.memref_squeeze %dma_wait3A_218 : memref<1x64xi32, #tpu.memory_space<vmem>> -> memref<64xi32, #tpu.memory_space<vmem>>
        %dma_wait3A_220 = arith.constant 0 : i32
        %dma_wait3A_221 = arith.constant 0 : i32
        %dma_wait3A_222 = tpu.memref_slice %arg5[%dma_wait3A_220, %dma_wait3A_221] : memref<204800x128xf32, #tpu.memory_space<hbm>> -> memref<204800x128xf32, #tpu.memory_space<hbm>>
        tpu.wait_indirect_dma semaphore(%arg21 : memref<!tpu.dma_semaphore, #tpu.memory_space<semaphore_mem>>) src(%arg13 : memref<64x128xf32, #tpu.memory_space<vmem>>) dst(%dma_wait3A_222 : memref<204800x128xf32, #tpu.memory_space<hbm>>)
      } else {
      }
      %scan3A_136 = arith.constant 0 : i32
      %scan3A_137 = arith.constant 64 : i32
      %scan3A_138 = arith.addi %scan3A_136, %scan3A_137 : i32
      %scan3A_139 = arith.constant 1 : i32
      scf.for %scan3A_216 = %scan3A_136 to %scan3A_138 step %scan3A_139  : i32 {
        %mul3A_217 = arith.constant 1 : i32
        %mul3A_218 = arith.muli %scan3A_216, %mul3A_217 : i32
        %add3A_219 = arith.constant 0 : i32
        %add3A_220 = arith.addi %add3A_219, %mul3A_218 : i32
        %get3A = arith.index_cast %add3A_220 : i32 to index
        %get3A_221 = arith.constant 0 : index
        %get3A_222 = tpu.vector_load %arg9[%get3A, %get3A_221] {strides = array<i32>} : memref<64x128xf32, #tpu.memory_space<vmem>>, vector<1x16xf32>,
        %get3A_223 = vector.shape_cast %get3A_222 : vector<1x16xf32> to vector<16xf32>
        %mul3A_224 = arith.constant 11.3137083 : f32
        %mul3A_225 = vector.broadcast %mul3A_224 : f32 to vector<16xf32>
        %mul3A_226 = arith.mulf %get3A_223, %mul3A_225 : vector<16xf32>
        %swap3A = arith.index_cast %add3A_220 : i32 to index
        %swap3A_227 = arith.constant 0 : index
        %swap3A_228 = tpu.vector_load %arg13[%swap3A, %swap3A_227] {strides = array<i32>} : memref<64x128xf32, #tpu.memory_space<vmem>>, vector<1x16xf32>,
        %swap3A_229 = vector.shape_cast %swap3A_228 : vector<1x16xf32> to vector<16xf32>
        %swap3A_230 = vector.shape_cast %mul3A_226 : vector<16xf32> to vector<1x16xf32>
        tpu.vector_store %arg13[%swap3A, %swap3A_227], %swap3A_230 {strides = array<i32>} : memref<64x128xf32, #tpu.memory_space<vmem>>, vector<1x16xf32>,
        %get3A_231 = arith.index_cast %add3A_220 : i32 to index
        %get3A_232 = arith.constant 16 : index
        %get3A_233 = tpu.vector_load %arg9[%get3A_231, %get3A_232] {strides = array<i32>} : memref<64x128xf32, #tpu.memory_space<vmem>>, vector<1x16xf32>,
        %get3A_234 = vector.shape_cast %get3A_233 : vector<1x16xf32> to vector<16xf32>
        %mul3A_235 = arith.constant 11.3137083 : f32
        %mul3A_236 = vector.broadcast %mul3A_235 : f32 to vector<16xf32>
        %mul3A_237 = arith.mulf %get3A_234, %mul3A_236 : vector<16xf32>
        %swap3A_238 = arith.index_cast %add3A_220 : i32 to index
        %swap3A_239 = arith.constant 16 : index
        %swap3A_240 = tpu.vector_load %arg13[%swap3A_238, %swap3A_239] {strides = array<i32>} : memref<64x128xf32, #tpu.memory_space<vmem>>, vector<1x16xf32>,
        %swap3A_241 = vector.shape_cast %swap3A_240 : vector<1x16xf32> to vector<16xf32>
        %swap3A_242 = vector.shape_cast %mul3A_237 : vector<16xf32> to vector<1x16xf32>
        tpu.vector_store %arg13[%swap3A_238, %swap3A_239], %swap3A_242 {strides = array<i32>} : memref<64x128xf32, #tpu.memory_space<vmem>>, vector<1x16xf32>,
        %get3A_243 = arith.index_cast %add3A_220 : i32 to index
        %get3A_244 = arith.constant 32 : index
        %get3A_245 = tpu.vector_load %arg9[%get3A_243, %get3A_244] {strides = array<i32>} : memref<64x128xf32, #tpu.memory_space<vmem>>, vector<1x16xf32>,
        %get3A_246 = vector.shape_cast %get3A_245 : vector<1x16xf32> to vector<16xf32>
        %mul3A_247 = arith.constant 11.3137083 : f32
        %mul3A_248 = vector.broadcast %mul3A_247 : f32 to vector<16xf32>
        %mul3A_249 = arith.mulf %get3A_246, %mul3A_248 : vector<16xf32>
        %swap3A_250 = arith.index_cast %add3A_220 : i32 to index
        %swap3A_251 = arith.constant 32 : index
        %swap3A_252 = tpu.vector_load %arg13[%swap3A_250, %swap3A_251] {strides = array<i32>} : memref<64x128xf32, #tpu.memory_space<vmem>>, vector<1x16xf32>,
        %swap3A_253 = vector.shape_cast %swap3A_252 : vector<1x16xf32> to vector<16xf32>
        %swap3A_254 = vector.shape_cast %mul3A_249 : vector<16xf32> to vector<1x16xf32>
        tpu.vector_store %arg13[%swap3A_250, %swap3A_251], %swap3A_254 {strides = array<i32>} : memref<64x128xf32, #tpu.memory_space<vmem>>, vector<1x16xf32>,
        %get3A_255 = arith.index_cast %add3A_220 : i32 to index
        %get3A_256 = arith.constant 48 : index
        %get3A_257 = tpu.vector_load %arg9[%get3A_255, %get3A_256] {strides = array<i32>} : memref<64x128xf32, #tpu.memory_space<vmem>>, vector<1x16xf32>,
        %get3A_258 = vector.shape_cast %get3A_257 : vector<1x16xf32> to vector<16xf32>
        %mul3A_259 = arith.constant 11.3137083 : f32
        %mul3A_260 = vector.broadcast %mul3A_259 : f32 to vector<16xf32>
        %mul3A_261 = arith.mulf %get3A_258, %mul3A_260 : vector<16xf32>
        %swap3A_262 = arith.index_cast %add3A_220 : i32 to index
        %swap3A_263 = arith.constant 48 : index
        %swap3A_264 = tpu.vector_load %arg13[%swap3A_262, %swap3A_263] {strides = array<i32>} : memref<64x128xf32, #tpu.memory_space<vmem>>, vector<1x16xf32>,
        %swap3A_265 = vector.shape_cast %swap3A_264 : vector<1x16xf32> to vector<16xf32>
        %swap3A_266 = vector.shape_cast %mul3A_261 : vector<16xf32> to vector<1x16xf32>
        tpu.vector_store %arg13[%swap3A_262, %swap3A_263], %swap3A_266 {strides = array<i32>} : memref<64x128xf32, #tpu.memory_space<vmem>>, vector<1x16xf32>,
        %get3A_267 = arith.index_cast %add3A_220 : i32 to index
        %get3A_268 = arith.constant 64 : index
        %get3A_269 = tpu.vector_load %arg9[%get3A_267, %get3A_268] {strides = array<i32>} : memref<64x128xf32, #tpu.memory_space<vmem>>, vector<1x16xf32>,
        %get3A_270 = vector.shape_cast %get3A_269 : vector<1x16xf32> to vector<16xf32>
        %mul3A_271 = arith.constant 11.3137083 : f32
        %mul3A_272 = vector.broadcast %mul3A_271 : f32 to vector<16xf32>
        %mul3A_273 = arith.mulf %get3A_270, %mul3A_272 : vector<16xf32>
        %swap3A_274 = arith.index_cast %add3A_220 : i32 to index
        %swap3A_275 = arith.constant 64 : index
        %swap3A_276 = tpu.vector_load %arg13[%swap3A_274, %swap3A_275] {strides = array<i32>} : memref<64x128xf32, #tpu.memory_space<vmem>>, vector<1x16xf32>,
        %swap3A_277 = vector.shape_cast %swap3A_276 : vector<1x16xf32> to vector<16xf32>
        %swap3A_278 = vector.shape_cast %mul3A_273 : vector<16xf32> to vector<1x16xf32>
        tpu.vector_store %arg13[%swap3A_274, %swap3A_275], %swap3A_278 {strides = array<i32>} : memref<64x128xf32, #tpu.memory_space<vmem>>, vector<1x16xf32>,
        %get3A_279 = arith.index_cast %add3A_220 : i32 to index
        %get3A_280 = arith.constant 80 : index
        %get3A_281 = tpu.vector_load %arg9[%get3A_279, %get3A_280] {strides = array<i32>} : memref<64x128xf32, #tpu.memory_space<vmem>>, vector<1x16xf32>,
        %get3A_282 = vector.shape_cast %get3A_281 : vector<1x16xf32> to vector<16xf32>
        %mul3A_283 = arith.constant 11.3137083 : f32
        %mul3A_284 = vector.broadcast %mul3A_283 : f32 to vector<16xf32>
        %mul3A_285 = arith.mulf %get3A_282, %mul3A_284 : vector<16xf32>
        %swap3A_286 = arith.index_cast %add3A_220 : i32 to index
        %swap3A_287 = arith.constant 80 : index
        %swap3A_288 = tpu.vector_load %arg13[%swap3A_286, %swap3A_287] {strides = array<i32>} : memref<64x128xf32, #tpu.memory_space<vmem>>, vector<1x16xf32>,
        %swap3A_289 = vector.shape_cast %swap3A_288 : vector<1x16xf32> to vector<16xf32>
        %swap3A_290 = vector.shape_cast %mul3A_285 : vector<16xf32> to vector<1x16xf32>
        tpu.vector_store %arg13[%swap3A_286, %swap3A_287], %swap3A_290 {strides = array<i32>} : memref<64x128xf32, #tpu.memory_space<vmem>>, vector<1x16xf32>,
        %get3A_291 = arith.index_cast %add3A_220 : i32 to index
        %get3A_292 = arith.constant 96 : index
        %get3A_293 = tpu.vector_load %arg9[%get3A_291, %get3A_292] {strides = array<i32>} : memref<64x128xf32, #tpu.memory_space<vmem>>, vector<1x16xf32>,
        %get3A_294 = vector.shape_cast %get3A_293 : vector<1x16xf32> to vector<16xf32>
        %mul3A_295 = arith.constant 11.3137083 : f32
        %mul3A_296 = vector.broadcast %mul3A_295 : f32 to vector<16xf32>
        %mul3A_297 = arith.mulf %get3A_294, %mul3A_296 : vector<16xf32>
        %swap3A_298 = arith.index_cast %add3A_220 : i32 to index
        %swap3A_299 = arith.constant 96 : index
        %swap3A_300 = tpu.vector_load %arg13[%swap3A_298, %swap3A_299] {strides = array<i32>} : memref<64x128xf32, #tpu.memory_space<vmem>>, vector<1x16xf32>,
        %swap3A_301 = vector.shape_cast %swap3A_300 : vector<1x16xf32> to vector<16xf32>
        %swap3A_302 = vector.shape_cast %mul3A_297 : vector<16xf32> to vector<1x16xf32>
        tpu.vector_store %arg13[%swap3A_298, %swap3A_299], %swap3A_302 {strides = array<i32>} : memref<64x128xf32, #tpu.memory_space<vmem>>, vector<1x16xf32>,
        %get3A_303 = arith.index_cast %add3A_220 : i32 to index
        %get3A_304 = arith.constant 112 : index
        %get3A_305 = tpu.vector_load %arg9[%get3A_303, %get3A_304] {strides = array<i32>} : memref<64x128xf32, #tpu.memory_space<vmem>>, vector<1x16xf32>,
        %get3A_306 = vector.shape_cast %get3A_305 : vector<1x16xf32> to vector<16xf32>
        %mul3A_307 = arith.constant 11.3137083 : f32
        %mul3A_308 = vector.broadcast %mul3A_307 : f32 to vector<16xf32>
        %mul3A_309 = arith.mulf %get3A_306, %mul3A_308 : vector<16xf32>
        %swap3A_310 = arith.index_cast %add3A_220 : i32 to index
        %swap3A_311 = arith.constant 112 : index
        %swap3A_312 = tpu.vector_load %arg13[%swap3A_310, %swap3A_311] {strides = array<i32>} : memref<64x128xf32, #tpu.memory_space<vmem>>, vector<1x16xf32>,
        %swap3A_313 = vector.shape_cast %swap3A_312 : vector<1x16xf32> to vector<16xf32>
        %swap3A_314 = vector.shape_cast %mul3A_309 : vector<16xf32> to vector<1x16xf32>
        tpu.vector_store %arg13[%swap3A_310, %swap3A_311], %swap3A_314 {strides = array<i32>} : memref<64x128xf32, #tpu.memory_space<vmem>>, vector<1x16xf32>,
      }
      %scan3A_140 = arith.constant 64 : i32
      %add3A_141 = arith.constant 4 : i32
      %add3A_142 = arith.addi %add3A_124, %add3A_141 : i32
      %lt3A_143 = arith.constant 100 : i32
      %lt3A_144 = arith.cmpi slt, %add3A_142, %lt3A_143 : i32
      %convert_element_type3A_145 = arith.extui %lt3A_144 : i1 to i32
      %cond3A_146 = arith.constant 0 : i32
      %cond3A_147 = arith.cmpi ne, %convert_element_type3A_145, %cond3A_146 : i32
      scf.if %cond3A_147 {
        %add3A_216 = arith.constant 4 : i32
        %add3A_217 = arith.addi %add3A_124, %add3A_216 : i32
        %dma_start3A_218 = arith.constant 0 : i32
        %dma_start3A_219 = tpu.memref_slice %arg6[%add3A_217, %dma_start3A_218] : memref<100x64xi32, #tpu.memory_space<vmem>> -> memref<1x64xi32, #tpu.memory_space<vmem>>
        %dma_start3A_220 = tpu.memref_squeeze %dma_start3A_219 : memref<1x64xi32, #tpu.memory_space<vmem>> -> memref<64xi32, #tpu.memory_space<vmem>>
        %dma_start3A_221 = arith.constant 0 : i32
        %dma_start3A_222 = arith.constant 0 : i32
        %dma_start3A_223 = tpu.memref_slice %arg2[%dma_start3A_221, %dma_start3A_222] : memref<100000x128xf32, #tpu.memory_space<hbm>> -> memref<100000x128xf32, #tpu.memory_space<hbm>>
        tpu.enqueue_indirect_dma source(%dma_start3A_223 : memref<100000x128xf32, #tpu.memory_space<hbm>>) target(%arg9 : memref<64x128xf32, #tpu.memory_space<vmem>>) offsets(%dma_start3A_220 : memref<64xi32, #tpu.memory_space<vmem>>) semaphore(%arg17 : memref<!tpu.dma_semaphore, #tpu.memory_space<semaphore_mem>>)
      } else {
      }
      %dma_start3A_148 = arith.constant 0 : i32
      %dma_start3A_149 = tpu.memref_slice %arg7[%add3A_124, %dma_start3A_148] : memref<100x64xi32, #tpu.memory_space<vmem>> -> memref<1x64xi32, #tpu.memory_space<vmem>>
      %dma_start3A_150 = tpu.memref_squeeze %dma_start3A_149 : memref<1x64xi32, #tpu.memory_space<vmem>> -> memref<64xi32, #tpu.memory_space<vmem>>
      %dma_start3A_151 = arith.constant 0 : i32
      %dma_start3A_152 = arith.constant 0 : i32
      %dma_start3A_153 = tpu.memref_slice %arg5[%dma_start3A_151, %dma_start3A_152] : memref<204800x128xf32, #tpu.memory_space<hbm>> -> memref<204800x128xf32, #tpu.memory_space<hbm>>
      tpu.enqueue_indirect_dma source(%arg13 : memref<64x128xf32, #tpu.memory_space<vmem>>) target(%dma_start3A_153 : memref<204800x128xf32, #tpu.memory_space<hbm>>) offsets(%dma_start3A_150 : memref<64xi32, #tpu.memory_space<vmem>>) semaphore(%arg21 : memref<!tpu.dma_semaphore, #tpu.memory_space<semaphore_mem>>)
      %add3A_154 = arith.constant 2 : i32
      %add3A_155 = arith.addi %add3A_95, %add3A_154 : i32
      %dma_wait3A_156 = arith.constant 0 : i32
      %dma_wait3A_157 = tpu.memref_slice %arg6[%add3A_155, %dma_wait3A_156] : memref<100x64xi32, #tpu.memory_space<vmem>> -> memref<1x64xi32, #tpu.memory_space<vmem>>
      %dma_wait3A_158 = tpu.memref_squeeze %dma_wait3A_157 : memref<1x64xi32, #tpu.memory_space<vmem>> -> memref<64xi32, #tpu.memory_space<vmem>>
      %dma_wait3A_159 = arith.constant 0 : i32
      %dma_wait3A_160 = arith.constant 0 : i32
      %dma_wait3A_161 = tpu.memref_slice %arg2[%dma_wait3A_159, %dma_wait3A_160] : memref<100000x128xf32, #tpu.memory_space<hbm>> -> memref<100000x128xf32, #tpu.memory_space<hbm>>
      tpu.wait_indirect_dma semaphore(%arg18 : memref<!tpu.dma_semaphore, #tpu.memory_space<semaphore_mem>>) src(%dma_wait3A_161 : memref<100000x128xf32, #tpu.memory_space<hbm>>) dst(%arg10 : memref<64x128xf32, #tpu.memory_space<vmem>>)
      %ge3A_162 = arith.constant 4 : i32
      %ge3A_163 = arith.cmpi sge, %add3A_155, %ge3A_162 : i32
      %convert_element_type3A_164 = arith.extui %ge3A_163 : i1 to i32
      %cond3A_165 = arith.constant 0 : i32
      %cond3A_166 = arith.cmpi ne, %convert_element_type3A_164, %cond3A_165 : i32
      scf.if %cond3A_166 {
        %sub3A = arith.constant 4 : i32
        %sub3A_216 = arith.subi %add3A_155, %sub3A : i32
        %dma_wait3A_217 = arith.constant 0 : i32
        %dma_wait3A_218 = tpu.memref_slice %arg7[%sub3A_216, %dma_wait3A_217] : memref<100x64xi32, #tpu.memory_space<vmem>> -> memref<1x64xi32, #tpu.memory_space<vmem>>
        %dma_wait3A_219 = tpu.memref_squeeze %dma_wait3A_218 : memref<1x64xi32, #tpu.memory_space<vmem>> -> memref<64xi32, #tpu.memory_space<vmem>>
        %dma_wait3A_220 = arith.constant 0 : i32
        %dma_wait3A_221 = arith.constant 0 : i32
        %dma_wait3A_222 = tpu.memref_slice %arg5[%dma_wait3A_220, %dma_wait3A_221] : memref<204800x128xf32, #tpu.memory_space<hbm>> -> memref<204800x128xf32, #tpu.memory_space<hbm>>
        tpu.wait_indirect_dma semaphore(%arg22 : memref<!tpu.dma_semaphore, #tpu.memory_space<semaphore_mem>>) src(%arg14 : memref<64x128xf32, #tpu.memory_space<vmem>>) dst(%dma_wait3A_222 : memref<204800x128xf32, #tpu.memory_space<hbm>>)
      } else {
      }
      %scan3A_167 = arith.constant 0 : i32
      %scan3A_168 = arith.constant 64 : i32
      %scan3A_169 = arith.addi %scan3A_167, %scan3A_168 : i32
      %scan3A_170 = arith.constant 1 : i32
      scf.for %scan3A_216 = %scan3A_167 to %scan3A_169 step %scan3A_170  : i32 {
        %mul3A_217 = arith.constant 1 : i32
        %mul3A_218 = arith.muli %scan3A_216, %mul3A_217 : i32
        %add3A_219 = arith.constant 0 : i32
        %add3A_220 = arith.addi %add3A_219, %mul3A_218 : i32
        %get3A = arith.index_cast %add3A_220 : i32 to index
        %get3A_221 = arith.constant 0 : index
        %get3A_222 = tpu.vector_load %arg10[%get3A, %get3A_221] {strides = array<i32>} : memref<64x128xf32, #tpu.memory_space<vmem>>, vector<1x16xf32>,
        %get3A_223 = vector.shape_cast %get3A_222 : vector<1x16xf32> to vector<16xf32>
        %mul3A_224 = arith.constant 11.3137083 : f32
        %mul3A_225 = vector.broadcast %mul3A_224 : f32 to vector<16xf32>
        %mul3A_226 = arith.mulf %get3A_223, %mul3A_225 : vector<16xf32>
        %swap3A = arith.index_cast %add3A_220 : i32 to index
        %swap3A_227 = arith.constant 0 : index
        %swap3A_228 = tpu.vector_load %arg14[%swap3A, %swap3A_227] {strides = array<i32>} : memref<64x128xf32, #tpu.memory_space<vmem>>, vector<1x16xf32>,
        %swap3A_229 = vector.shape_cast %swap3A_228 : vector<1x16xf32> to vector<16xf32>
        %swap3A_230 = vector.shape_cast %mul3A_226 : vector<16xf32> to vector<1x16xf32>
        tpu.vector_store %arg14[%swap3A, %swap3A_227], %swap3A_230 {strides = array<i32>} : memref<64x128xf32, #tpu.memory_space<vmem>>, vector<1x16xf32>,
        %get3A_231 = arith.index_cast %add3A_220 : i32 to index
        %get3A_232 = arith.constant 16 : index
        %get3A_233 = tpu.vector_load %arg10[%get3A_231, %get3A_232] {strides = array<i32>} : memref<64x128xf32, #tpu.memory_space<vmem>>, vector<1x16xf32>,
        %get3A_234 = vector.shape_cast %get3A_233 : vector<1x16xf32> to vector<16xf32>
        %mul3A_235 = arith.constant 11.3137083 : f32
        %mul3A_236 = vector.broadcast %mul3A_235 : f32 to vector<16xf32>
        %mul3A_237 = arith.mulf %get3A_234, %mul3A_236 : vector<16xf32>
        %swap3A_238 = arith.index_cast %add3A_220 : i32 to index
        %swap3A_239 = arith.constant 16 : index
        %swap3A_240 = tpu.vector_load %arg14[%swap3A_238, %swap3A_239] {strides = array<i32>} : memref<64x128xf32, #tpu.memory_space<vmem>>, vector<1x16xf32>,
        %swap3A_241 = vector.shape_cast %swap3A_240 : vector<1x16xf32> to vector<16xf32>
        %swap3A_242 = vector.shape_cast %mul3A_237 : vector<16xf32> to vector<1x16xf32>
        tpu.vector_store %arg14[%swap3A_238, %swap3A_239], %swap3A_242 {strides = array<i32>} : memref<64x128xf32, #tpu.memory_space<vmem>>, vector<1x16xf32>,
        %get3A_243 = arith.index_cast %add3A_220 : i32 to index
        %get3A_244 = arith.constant 32 : index
        %get3A_245 = tpu.vector_load %arg10[%get3A_243, %get3A_244] {strides = array<i32>} : memref<64x128xf32, #tpu.memory_space<vmem>>, vector<1x16xf32>,
        %get3A_246 = vector.shape_cast %get3A_245 : vector<1x16xf32> to vector<16xf32>
        %mul3A_247 = arith.constant 11.3137083 : f32
        %mul3A_248 = vector.broadcast %mul3A_247 : f32 to vector<16xf32>
        %mul3A_249 = arith.mulf %get3A_246, %mul3A_248 : vector<16xf32>
        %swap3A_250 = arith.index_cast %add3A_220 : i32 to index
        %swap3A_251 = arith.constant 32 : index
        %swap3A_252 = tpu.vector_load %arg14[%swap3A_250, %swap3A_251] {strides = array<i32>} : memref<64x128xf32, #tpu.memory_space<vmem>>, vector<1x16xf32>,
        %swap3A_253 = vector.shape_cast %swap3A_252 : vector<1x16xf32> to vector<16xf32>
        %swap3A_254 = vector.shape_cast %mul3A_249 : vector<16xf32> to vector<1x16xf32>
        tpu.vector_store %arg14[%swap3A_250, %swap3A_251], %swap3A_254 {strides = array<i32>} : memref<64x128xf32, #tpu.memory_space<vmem>>, vector<1x16xf32>,
        %get3A_255 = arith.index_cast %add3A_220 : i32 to index
        %get3A_256 = arith.constant 48 : index
        %get3A_257 = tpu.vector_load %arg10[%get3A_255, %get3A_256] {strides = array<i32>} : memref<64x128xf32, #tpu.memory_space<vmem>>, vector<1x16xf32>,
        %get3A_258 = vector.shape_cast %get3A_257 : vector<1x16xf32> to vector<16xf32>
        %mul3A_259 = arith.constant 11.3137083 : f32
        %mul3A_260 = vector.broadcast %mul3A_259 : f32 to vector<16xf32>
        %mul3A_261 = arith.mulf %get3A_258, %mul3A_260 : vector<16xf32>
        %swap3A_262 = arith.index_cast %add3A_220 : i32 to index
        %swap3A_263 = arith.constant 48 : index
        %swap3A_264 = tpu.vector_load %arg14[%swap3A_262, %swap3A_263] {strides = array<i32>} : memref<64x128xf32, #tpu.memory_space<vmem>>, vector<1x16xf32>,
        %swap3A_265 = vector.shape_cast %swap3A_264 : vector<1x16xf32> to vector<16xf32>
        %swap3A_266 = vector.shape_cast %mul3A_261 : vector<16xf32> to vector<1x16xf32>
        tpu.vector_store %arg14[%swap3A_262, %swap3A_263], %swap3A_266 {strides = array<i32>} : memref<64x128xf32, #tpu.memory_space<vmem>>, vector<1x16xf32>,
        %get3A_267 = arith.index_cast %add3A_220 : i32 to index
        %get3A_268 = arith.constant 64 : index
        %get3A_269 = tpu.vector_load %arg10[%get3A_267, %get3A_268] {strides = array<i32>} : memref<64x128xf32, #tpu.memory_space<vmem>>, vector<1x16xf32>,
        %get3A_270 = vector.shape_cast %get3A_269 : vector<1x16xf32> to vector<16xf32>
        %mul3A_271 = arith.constant 11.3137083 : f32
        %mul3A_272 = vector.broadcast %mul3A_271 : f32 to vector<16xf32>
        %mul3A_273 = arith.mulf %get3A_270, %mul3A_272 : vector<16xf32>
        %swap3A_274 = arith.index_cast %add3A_220 : i32 to index
        %swap3A_275 = arith.constant 64 : index
        %swap3A_276 = tpu.vector_load %arg14[%swap3A_274, %swap3A_275] {strides = array<i32>} : memref<64x128xf32, #tpu.memory_space<vmem>>, vector<1x16xf32>,
        %swap3A_277 = vector.shape_cast %swap3A_276 : vector<1x16xf32> to vector<16xf32>
        %swap3A_278 = vector.shape_cast %mul3A_273 : vector<16xf32> to vector<1x16xf32>
        tpu.vector_store %arg14[%swap3A_274, %swap3A_275], %swap3A_278 {strides = array<i32>} : memref<64x128xf32, #tpu.memory_space<vmem>>, vector<1x16xf32>,
        %get3A_279 = arith.index_cast %add3A_220 : i32 to index
        %get3A_280 = arith.constant 80 : index
        %get3A_281 = tpu.vector_load %arg10[%get3A_279, %get3A_280] {strides = array<i32>} : memref<64x128xf32, #tpu.memory_space<vmem>>, vector<1x16xf32>,
        %get3A_282 = vector.shape_cast %get3A_281 : vector<1x16xf32> to vector<16xf32>
        %mul3A_283 = arith.constant 11.3137083 : f32
        %mul3A_284 = vector.broadcast %mul3A_283 : f32 to vector<16xf32>
        %mul3A_285 = arith.mulf %get3A_282, %mul3A_284 : vector<16xf32>
        %swap3A_286 = arith.index_cast %add3A_220 : i32 to index
        %swap3A_287 = arith.constant 80 : index
        %swap3A_288 = tpu.vector_load %arg14[%swap3A_286, %swap3A_287] {strides = array<i32>} : memref<64x128xf32, #tpu.memory_space<vmem>>, vector<1x16xf32>,
        %swap3A_289 = vector.shape_cast %swap3A_288 : vector<1x16xf32> to vector<16xf32>
        %swap3A_290 = vector.shape_cast %mul3A_285 : vector<16xf32> to vector<1x16xf32>
        tpu.vector_store %arg14[%swap3A_286, %swap3A_287], %swap3A_290 {strides = array<i32>} : memref<64x128xf32, #tpu.memory_space<vmem>>, vector<1x16xf32>,
        %get3A_291 = arith.index_cast %add3A_220 : i32 to index
        %get3A_292 = arith.constant 96 : index
        %get3A_293 = tpu.vector_load %arg10[%get3A_291, %get3A_292] {strides = array<i32>} : memref<64x128xf32, #tpu.memory_space<vmem>>, vector<1x16xf32>,
        %get3A_294 = vector.shape_cast %get3A_293 : vector<1x16xf32> to vector<16xf32>
        %mul3A_295 = arith.constant 11.3137083 : f32
        %mul3A_296 = vector.broadcast %mul3A_295 : f32 to vector<16xf32>
        %mul3A_297 = arith.mulf %get3A_294, %mul3A_296 : vector<16xf32>
        %swap3A_298 = arith.index_cast %add3A_220 : i32 to index
        %swap3A_299 = arith.constant 96 : index
        %swap3A_300 = tpu.vector_load %arg14[%swap3A_298, %swap3A_299] {strides = array<i32>} : memref<64x128xf32, #tpu.memory_space<vmem>>, vector<1x16xf32>,
        %swap3A_301 = vector.shape_cast %swap3A_300 : vector<1x16xf32> to vector<16xf32>
        %swap3A_302 = vector.shape_cast %mul3A_297 : vector<16xf32> to vector<1x16xf32>
        tpu.vector_store %arg14[%swap3A_298, %swap3A_299], %swap3A_302 {strides = array<i32>} : memref<64x128xf32, #tpu.memory_space<vmem>>, vector<1x16xf32>,
        %get3A_303 = arith.index_cast %add3A_220 : i32 to index
        %get3A_304 = arith.constant 112 : index
        %get3A_305 = tpu.vector_load %arg10[%get3A_303, %get3A_304] {strides = array<i32>} : memref<64x128xf32, #tpu.memory_space<vmem>>, vector<1x16xf32>,
        %get3A_306 = vector.shape_cast %get3A_305 : vector<1x16xf32> to vector<16xf32>
        %mul3A_307 = arith.constant 11.3137083 : f32
        %mul3A_308 = vector.broadcast %mul3A_307 : f32 to vector<16xf32>
        %mul3A_309 = arith.mulf %get3A_306, %mul3A_308 : vector<16xf32>
        %swap3A_310 = arith.index_cast %add3A_220 : i32 to index
        %swap3A_311 = arith.constant 112 : index
        %swap3A_312 = tpu.vector_load %arg14[%swap3A_310, %swap3A_311] {strides = array<i32>} : memref<64x128xf32, #tpu.memory_space<vmem>>, vector<1x16xf32>,
        %swap3A_313 = vector.shape_cast %swap3A_312 : vector<1x16xf32> to vector<16xf32>
        %swap3A_314 = vector.shape_cast %mul3A_309 : vector<16xf32> to vector<1x16xf32>
        tpu.vector_store %arg14[%swap3A_310, %swap3A_311], %swap3A_314 {strides = array<i32>} : memref<64x128xf32, #tpu.memory_space<vmem>>, vector<1x16xf32>,
      }
      %scan3A_171 = arith.constant 64 : i32
      %add3A_172 = arith.constant 4 : i32
      %add3A_173 = arith.addi %add3A_155, %add3A_172 : i32
      %lt3A_174 = arith.constant 100 : i32
      %lt3A_175 = arith.cmpi slt, %add3A_173, %lt3A_174 : i32
      %convert_element_type3A_176 = arith.extui %lt3A_175 : i1 to i32
      %cond3A_177 = arith.constant 0 : i32
      %cond3A_178 = arith.cmpi ne, %convert_element_type3A_176, %cond3A_177 : i32
      scf.if %cond3A_178 {
        %add3A_216 = arith.constant 4 : i32
        %add3A_217 = arith.addi %add3A_155, %add3A_216 : i32
        %dma_start3A_218 = arith.constant 0 : i32
        %dma_start3A_219 = tpu.memref_slice %arg6[%add3A_217, %dma_start3A_218] : memref<100x64xi32, #tpu.memory_space<vmem>> -> memref<1x64xi32, #tpu.memory_space<vmem>>
        %dma_start3A_220 = tpu.memref_squeeze %dma_start3A_219 : memref<1x64xi32, #tpu.memory_space<vmem>> -> memref<64xi32, #tpu.memory_space<vmem>>
        %dma_start3A_221 = arith.constant 0 : i32
        %dma_start3A_222 = arith.constant 0 : i32
        %dma_start3A_223 = tpu.memref_slice %arg2[%dma_start3A_221, %dma_start3A_222] : memref<100000x128xf32, #tpu.memory_space<hbm>> -> memref<100000x128xf32, #tpu.memory_space<hbm>>
        tpu.enqueue_indirect_dma source(%dma_start3A_223 : memref<100000x128xf32, #tpu.memory_space<hbm>>) target(%arg10 : memref<64x128xf32, #tpu.memory_space<vmem>>) offsets(%dma_start3A_220 : memref<64xi32, #tpu.memory_space<vmem>>) semaphore(%arg18 : memref<!tpu.dma_semaphore, #tpu.memory_space<semaphore_mem>>)
      } else {
      }
      %dma_start3A_179 = arith.constant 0 : i32
      %dma_start3A_180 = tpu.memref_slice %arg7[%add3A_155, %dma_start3A_179] : memref<100x64xi32, #tpu.memory_space<vmem>> -> memref<1x64xi32, #tpu.memory_space<vmem>>
      %dma_start3A_181 = tpu.memref_squeeze %dma_start3A_180 : memref<1x64xi32, #tpu.memory_space<vmem>> -> memref<64xi32, #tpu.memory_space<vmem>>
      %dma_start3A_182 = arith.constant 0 : i32
      %dma_start3A_183 = arith.constant 0 : i32
      %dma_start3A_184 = tpu.memref_slice %arg5[%dma_start3A_182, %dma_start3A_183] : memref<204800x128xf32, #tpu.memory_space<hbm>> -> memref<204800x128xf32, #tpu.memory_space<hbm>>
      tpu.enqueue_indirect_dma source(%arg14 : memref<64x128xf32, #tpu.memory_space<vmem>>) target(%dma_start3A_184 : memref<204800x128xf32, #tpu.memory_space<hbm>>) offsets(%dma_start3A_181 : memref<64xi32, #tpu.memory_space<vmem>>) semaphore(%arg22 : memref<!tpu.dma_semaphore, #tpu.memory_space<semaphore_mem>>)
      %add3A_185 = arith.constant 3 : i32
      %add3A_186 = arith.addi %add3A_95, %add3A_185 : i32
      %dma_wait3A_187 = arith.constant 0 : i32
      %dma_wait3A_188 = tpu.memref_slice %arg6[%add3A_186, %dma_wait3A_187] : memref<100x64xi32, #tpu.memory_space<vmem>> -> memref<1x64xi32, #tpu.memory_space<vmem>>
      %dma_wait3A_189 = tpu.memref_squeeze %dma_wait3A_188 : memref<1x64xi32, #tpu.memory_space<vmem>> -> memref<64xi32, #tpu.memory_space<vmem>>
      %dma_wait3A_190 = arith.constant 0 : i32
      %dma_wait3A_191 = arith.constant 0 : i32
      %dma_wait3A_192 = tpu.memref_slice %arg2[%dma_wait3A_190, %dma_wait3A_191] : memref<100000x128xf32, #tpu.memory_space<hbm>> -> memref<100000x128xf32, #tpu.memory_space<hbm>>
      tpu.wait_indirect_dma semaphore(%arg19 : memref<!tpu.dma_semaphore, #tpu.memory_space<semaphore_mem>>) src(%dma_wait3A_192 : memref<100000x128xf32, #tpu.memory_space<hbm>>) dst(%arg11 : memref<64x128xf32, #tpu.memory_space<vmem>>)
      %ge3A_193 = arith.constant 4 : i32
      %ge3A_194 = arith.cmpi sge, %add3A_186, %ge3A_193 : i32
      %convert_element_type3A_195 = arith.extui %ge3A_194 : i1 to i32
      %cond3A_196 = arith.constant 0 : i32
      %cond3A_197 = arith.cmpi ne, %convert_element_type3A_195, %cond3A_196 : i32
      scf.if %cond3A_197 {
        %sub3A = arith.constant 4 : i32
        %sub3A_216 = arith.subi %add3A_186, %sub3A : i32
        %dma_wait3A_217 = arith.constant 0 : i32
        %dma_wait3A_218 = tpu.memref_slice %arg7[%sub3A_216, %dma_wait3A_217] : memref<100x64xi32, #tpu.memory_space<vmem>> -> memref<1x64xi32, #tpu.memory_space<vmem>>
        %dma_wait3A_219 = tpu.memref_squeeze %dma_wait3A_218 : memref<1x64xi32, #tpu.memory_space<vmem>> -> memref<64xi32, #tpu.memory_space<vmem>>
        %dma_wait3A_220 = arith.constant 0 : i32
        %dma_wait3A_221 = arith.constant 0 : i32
        %dma_wait3A_222 = tpu.memref_slice %arg5[%dma_wait3A_220, %dma_wait3A_221] : memref<204800x128xf32, #tpu.memory_space<hbm>> -> memref<204800x128xf32, #tpu.memory_space<hbm>>
        tpu.wait_indirect_dma semaphore(%arg23 : memref<!tpu.dma_semaphore, #tpu.memory_space<semaphore_mem>>) src(%arg15 : memref<64x128xf32, #tpu.memory_space<vmem>>) dst(%dma_wait3A_222 : memref<204800x128xf32, #tpu.memory_space<hbm>>)
      } else {
      }
      %scan3A_198 = arith.constant 0 : i32
      %scan3A_199 = arith.constant 64 : i32
      %scan3A_200 = arith.addi %scan3A_198, %scan3A_199 : i32
      %scan3A_201 = arith.constant 1 : i32
      scf.for %scan3A_216 = %scan3A_198 to %scan3A_200 step %scan3A_201  : i32 {
        %mul3A_217 = arith.constant 1 : i32
        %mul3A_218 = arith.muli %scan3A_216, %mul3A_217 : i32
        %add3A_219 = arith.constant 0 : i32
        %add3A_220 = arith.addi %add3A_219, %mul3A_218 : i32
        %get3A = arith.index_cast %add3A_220 : i32 to index
        %get3A_221 = arith.constant 0 : index
        %get3A_222 = tpu.vector_load %arg11[%get3A, %get3A_221] {strides = array<i32>} : memref<64x128xf32, #tpu.memory_space<vmem>>, vector<1x16xf32>,
        %get3A_223 = vector.shape_cast %get3A_222 : vector<1x16xf32> to vector<16xf32>
        %mul3A_224 = arith.constant 11.3137083 : f32
        %mul3A_225 = vector.broadcast %mul3A_224 : f32 to vector<16xf32>
        %mul3A_226 = arith.mulf %get3A_223, %mul3A_225 : vector<16xf32>
        %swap3A = arith.index_cast %add3A_220 : i32 to index
        %swap3A_227 = arith.constant 0 : index
        %swap3A_228 = tpu.vector_load %arg15[%swap3A, %swap3A_227] {strides = array<i32>} : memref<64x128xf32, #tpu.memory_space<vmem>>, vector<1x16xf32>,
        %swap3A_229 = vector.shape_cast %swap3A_228 : vector<1x16xf32> to vector<16xf32>
        %swap3A_230 = vector.shape_cast %mul3A_226 : vector<16xf32> to vector<1x16xf32>
        tpu.vector_store %arg15[%swap3A, %swap3A_227], %swap3A_230 {strides = array<i32>} : memref<64x128xf32, #tpu.memory_space<vmem>>, vector<1x16xf32>,
        %get3A_231 = arith.index_cast %add3A_220 : i32 to index
        %get3A_232 = arith.constant 16 : index
        %get3A_233 = tpu.vector_load %arg11[%get3A_231, %get3A_232] {strides = array<i32>} : memref<64x128xf32, #tpu.memory_space<vmem>>, vector<1x16xf32>,
        %get3A_234 = vector.shape_cast %get3A_233 : vector<1x16xf32> to vector<16xf32>
        %mul3A_235 = arith.constant 11.3137083 : f32
        %mul3A_236 = vector.broadcast %mul3A_235 : f32 to vector<16xf32>
        %mul3A_237 = arith.mulf %get3A_234, %mul3A_236 : vector<16xf32>
        %swap3A_238 = arith.index_cast %add3A_220 : i32 to index
        %swap3A_239 = arith.constant 16 : index
        %swap3A_240 = tpu.vector_load %arg15[%swap3A_238, %swap3A_239] {strides = array<i32>} : memref<64x128xf32, #tpu.memory_space<vmem>>, vector<1x16xf32>,
        %swap3A_241 = vector.shape_cast %swap3A_240 : vector<1x16xf32> to vector<16xf32>
        %swap3A_242 = vector.shape_cast %mul3A_237 : vector<16xf32> to vector<1x16xf32>
        tpu.vector_store %arg15[%swap3A_238, %swap3A_239], %swap3A_242 {strides = array<i32>} : memref<64x128xf32, #tpu.memory_space<vmem>>, vector<1x16xf32>,
        %get3A_243 = arith.index_cast %add3A_220 : i32 to index
        %get3A_244 = arith.constant 32 : index
        %get3A_245 = tpu.vector_load %arg11[%get3A_243, %get3A_244] {strides = array<i32>} : memref<64x128xf32, #tpu.memory_space<vmem>>, vector<1x16xf32>,
        %get3A_246 = vector.shape_cast %get3A_245 : vector<1x16xf32> to vector<16xf32>
        %mul3A_247 = arith.constant 11.3137083 : f32
        %mul3A_248 = vector.broadcast %mul3A_247 : f32 to vector<16xf32>
        %mul3A_249 = arith.mulf %get3A_246, %mul3A_248 : vector<16xf32>
        %swap3A_250 = arith.index_cast %add3A_220 : i32 to index
        %swap3A_251 = arith.constant 32 : index
        %swap3A_252 = tpu.vector_load %arg15[%swap3A_250, %swap3A_251] {strides = array<i32>} : memref<64x128xf32, #tpu.memory_space<vmem>>, vector<1x16xf32>,
        %swap3A_253 = vector.shape_cast %swap3A_252 : vector<1x16xf32> to vector<16xf32>
        %swap3A_254 = vector.shape_cast %mul3A_249 : vector<16xf32> to vector<1x16xf32>
        tpu.vector_store %arg15[%swap3A_250, %swap3A_251], %swap3A_254 {strides = array<i32>} : memref<64x128xf32, #tpu.memory_space<vmem>>, vector<1x16xf32>,
        %get3A_255 = arith.index_cast %add3A_220 : i32 to index
        %get3A_256 = arith.constant 48 : index
        %get3A_257 = tpu.vector_load %arg11[%get3A_255, %get3A_256] {strides = array<i32>} : memref<64x128xf32, #tpu.memory_space<vmem>>, vector<1x16xf32>,
        %get3A_258 = vector.shape_cast %get3A_257 : vector<1x16xf32> to vector<16xf32>
        %mul3A_259 = arith.constant 11.3137083 : f32
        %mul3A_260 = vector.broadcast %mul3A_259 : f32 to vector<16xf32>
        %mul3A_261 = arith.mulf %get3A_258, %mul3A_260 : vector<16xf32>
        %swap3A_262 = arith.index_cast %add3A_220 : i32 to index
        %swap3A_263 = arith.constant 48 : index
        %swap3A_264 = tpu.vector_load %arg15[%swap3A_262, %swap3A_263] {strides = array<i32>} : memref<64x128xf32, #tpu.memory_space<vmem>>, vector<1x16xf32>,
        %swap3A_265 = vector.shape_cast %swap3A_264 : vector<1x16xf32> to vector<16xf32>
        %swap3A_266 = vector.shape_cast %mul3A_261 : vector<16xf32> to vector<1x16xf32>
        tpu.vector_store %arg15[%swap3A_262, %swap3A_263], %swap3A_266 {strides = array<i32>} : memref<64x128xf32, #tpu.memory_space<vmem>>, vector<1x16xf32>,
        %get3A_267 = arith.index_cast %add3A_220 : i32 to index
        %get3A_268 = arith.constant 64 : index
        %get3A_269 = tpu.vector_load %arg11[%get3A_267, %get3A_268] {strides = array<i32>} : memref<64x128xf32, #tpu.memory_space<vmem>>, vector<1x16xf32>,
        %get3A_270 = vector.shape_cast %get3A_269 : vector<1x16xf32> to vector<16xf32>
        %mul3A_271 = arith.constant 11.3137083 : f32
        %mul3A_272 = vector.broadcast %mul3A_271 : f32 to vector<16xf32>
        %mul3A_273 = arith.mulf %get3A_270, %mul3A_272 : vector<16xf32>
        %swap3A_274 = arith.index_cast %add3A_220 : i32 to index
        %swap3A_275 = arith.constant 64 : index
        %swap3A_276 = tpu.vector_load %arg15[%swap3A_274, %swap3A_275] {strides = array<i32>} : memref<64x128xf32, #tpu.memory_space<vmem>>, vector<1x16xf32>,
        %swap3A_277 = vector.shape_cast %swap3A_276 : vector<1x16xf32> to vector<16xf32>
        %swap3A_278 = vector.shape_cast %mul3A_273 : vector<16xf32> to vector<1x16xf32>
        tpu.vector_store %arg15[%swap3A_274, %swap3A_275], %swap3A_278 {strides = array<i32>} : memref<64x128xf32, #tpu.memory_space<vmem>>, vector<1x16xf32>,
        %get3A_279 = arith.index_cast %add3A_220 : i32 to index
        %get3A_280 = arith.constant 80 : index
        %get3A_281 = tpu.vector_load %arg11[%get3A_279, %get3A_280] {strides = array<i32>} : memref<64x128xf32, #tpu.memory_space<vmem>>, vector<1x16xf32>,
        %get3A_282 = vector.shape_cast %get3A_281 : vector<1x16xf32> to vector<16xf32>
        %mul3A_283 = arith.constant 11.3137083 : f32
        %mul3A_284 = vector.broadcast %mul3A_283 : f32 to vector<16xf32>
        %mul3A_285 = arith.mulf %get3A_282, %mul3A_284 : vector<16xf32>
        %swap3A_286 = arith.index_cast %add3A_220 : i32 to index
        %swap3A_287 = arith.constant 80 : index
        %swap3A_288 = tpu.vector_load %arg15[%swap3A_286, %swap3A_287] {strides = array<i32>} : memref<64x128xf32, #tpu.memory_space<vmem>>, vector<1x16xf32>,
        %swap3A_289 = vector.shape_cast %swap3A_288 : vector<1x16xf32> to vector<16xf32>
        %swap3A_290 = vector.shape_cast %mul3A_285 : vector<16xf32> to vector<1x16xf32>
        tpu.vector_store %arg15[%swap3A_286, %swap3A_287], %swap3A_290 {strides = array<i32>} : memref<64x128xf32, #tpu.memory_space<vmem>>, vector<1x16xf32>,
        %get3A_291 = arith.index_cast %add3A_220 : i32 to index
        %get3A_292 = arith.constant 96 : index
        %get3A_293 = tpu.vector_load %arg11[%get3A_291, %get3A_292] {strides = array<i32>} : memref<64x128xf32, #tpu.memory_space<vmem>>, vector<1x16xf32>,
        %get3A_294 = vector.shape_cast %get3A_293 : vector<1x16xf32> to vector<16xf32>
        %mul3A_295 = arith.constant 11.3137083 : f32
        %mul3A_296 = vector.broadcast %mul3A_295 : f32 to vector<16xf32>
        %mul3A_297 = arith.mulf %get3A_294, %mul3A_296 : vector<16xf32>
        %swap3A_298 = arith.index_cast %add3A_220 : i32 to index
        %swap3A_299 = arith.constant 96 : index
        %swap3A_300 = tpu.vector_load %arg15[%swap3A_298, %swap3A_299] {strides = array<i32>} : memref<64x128xf32, #tpu.memory_space<vmem>>, vector<1x16xf32>,
        %swap3A_301 = vector.shape_cast %swap3A_300 : vector<1x16xf32> to vector<16xf32>
        %swap3A_302 = vector.shape_cast %mul3A_297 : vector<16xf32> to vector<1x16xf32>
        tpu.vector_store %arg15[%swap3A_298, %swap3A_299], %swap3A_302 {strides = array<i32>} : memref<64x128xf32, #tpu.memory_space<vmem>>, vector<1x16xf32>,
        %get3A_303 = arith.index_cast %add3A_220 : i32 to index
        %get3A_304 = arith.constant 112 : index
        %get3A_305 = tpu.vector_load %arg11[%get3A_303, %get3A_304] {strides = array<i32>} : memref<64x128xf32, #tpu.memory_space<vmem>>, vector<1x16xf32>,
        %get3A_306 = vector.shape_cast %get3A_305 : vector<1x16xf32> to vector<16xf32>
        %mul3A_307 = arith.constant 11.3137083 : f32
        %mul3A_308 = vector.broadcast %mul3A_307 : f32 to vector<16xf32>
        %mul3A_309 = arith.mulf %get3A_306, %mul3A_308 : vector<16xf32>
        %swap3A_310 = arith.index_cast %add3A_220 : i32 to index
        %swap3A_311 = arith.constant 112 : index
        %swap3A_312 = tpu.vector_load %arg15[%swap3A_310, %swap3A_311] {strides = array<i32>} : memref<64x128xf32, #tpu.memory_space<vmem>>, vector<1x16xf32>,
        %swap3A_313 = vector.shape_cast %swap3A_312 : vector<1x16xf32> to vector<16xf32>
        %swap3A_314 = vector.shape_cast %mul3A_309 : vector<16xf32> to vector<1x16xf32>
        tpu.vector_store %arg15[%swap3A_310, %swap3A_311], %swap3A_314 {strides = array<i32>} : memref<64x128xf32, #tpu.memory_space<vmem>>, vector<1x16xf32>,
      }
      %scan3A_202 = arith.constant 64 : i32
      %add3A_203 = arith.constant 4 : i32
      %add3A_204 = arith.addi %add3A_186, %add3A_203 : i32
      %lt3A_205 = arith.constant 100 : i32
      %lt3A_206 = arith.cmpi slt, %add3A_204, %lt3A_205 : i32
      %convert_element_type3A_207 = arith.extui %lt3A_206 : i1 to i32
      %cond3A_208 = arith.constant 0 : i32
      %cond3A_209 = arith.cmpi ne, %convert_element_type3A_207, %cond3A_208 : i32
      scf.if %cond3A_209 {
        %add3A_216 = arith.constant 4 : i32
        %add3A_217 = arith.addi %add3A_186, %add3A_216 : i32
        %dma_start3A_218 = arith.constant 0 : i32
        %dma_start3A_219 = tpu.memref_slice %arg6[%add3A_217, %dma_start3A_218] : memref<100x64xi32, #tpu.memory_space<vmem>> -> memref<1x64xi32, #tpu.memory_space<vmem>>
        %dma_start3A_220 = tpu.memref_squeeze %dma_start3A_219 : memref<1x64xi32, #tpu.memory_space<vmem>> -> memref<64xi32, #tpu.memory_space<vmem>>
        %dma_start3A_221 = arith.constant 0 : i32
        %dma_start3A_222 = arith.constant 0 : i32
        %dma_start3A_223 = tpu.memref_slice %arg2[%dma_start3A_221, %dma_start3A_222] : memref<100000x128xf32, #tpu.memory_space<hbm>> -> memref<100000x128xf32, #tpu.memory_space<hbm>>
        tpu.enqueue_indirect_dma source(%dma_start3A_223 : memref<100000x128xf32, #tpu.memory_space<hbm>>) target(%arg11 : memref<64x128xf32, #tpu.memory_space<vmem>>) offsets(%dma_start3A_220 : memref<64xi32, #tpu.memory_space<vmem>>) semaphore(%arg19 : memref<!tpu.dma_semaphore, #tpu.memory_space<semaphore_mem>>)
      } else {
      }
      %dma_start3A_210 = arith.constant 0 : i32
      %dma_start3A_211 = tpu.memref_slice %arg7[%add3A_186, %dma_start3A_210] : memref<100x64xi32, #tpu.memory_space<vmem>> -> memref<1x64xi32, #tpu.memory_space<vmem>>
      %dma_start3A_212 = tpu.memref_squeeze %dma_start3A_211 : memref<1x64xi32, #tpu.memory_space<vmem>> -> memref<64xi32, #tpu.memory_space<vmem>>
      %dma_start3A_213 = arith.constant 0 : i32
      %dma_start3A_214 = arith.constant 0 : i32
      %dma_start3A_215 = tpu.memref_slice %arg5[%dma_start3A_213, %dma_start3A_214] : memref<204800x128xf32, #tpu.memory_space<hbm>> -> memref<204800x128xf32, #tpu.memory_space<hbm>>
      tpu.enqueue_indirect_dma source(%arg15 : memref<64x128xf32, #tpu.memory_space<vmem>>) target(%dma_start3A_215 : memref<204800x128xf32, #tpu.memory_space<hbm>>) offsets(%dma_start3A_212 : memref<64xi32, #tpu.memory_space<vmem>>) semaphore(%arg23 : memref<!tpu.dma_semaphore, #tpu.memory_space<semaphore_mem>>)
    }
    %scan3A_62 = arith.constant 25 : i32
    %dma_wait3A_63 = arith.constant 96 : i32
    %dma_wait3A_64 = arith.constant 0 : i32
    %dma_wait3A_65 = tpu.memref_slice %arg7[%dma_wait3A_63, %dma_wait3A_64] : memref<100x64xi32, #tpu.memory_space<vmem>> -> memref<1x64xi32, #tpu.memory_space<vmem>>
    %dma_wait3A_66 = tpu.memref_squeeze %dma_wait3A_65 : memref<1x64xi32, #tpu.memory_space<vmem>> -> memref<64xi32, #tpu.memory_space<vmem>>
    %dma_wait3A_67 = arith.constant 0 : i32
    %dma_wait3A_68 = arith.constant 0 : i32
    %dma_wait3A_69 = tpu.memref_slice %arg5[%dma_wait3A_67, %dma_wait3A_68] : memref<204800x128xf32, #tpu.memory_space<hbm>> -> memref<204800x128xf32, #tpu.memory_space<hbm>>
    tpu.wait_indirect_dma semaphore(%arg20 : memref<!tpu.dma_semaphore, #tpu.memory_space<semaphore_mem>>) src(%arg12 : memref<64x128xf32, #tpu.memory_space<vmem>>) dst(%dma_wait3A_69 : memref<204800x128xf32, #tpu.memory_space<hbm>>)
    %dma_wait3A_70 = arith.constant 97 : i32
    %dma_wait3A_71 = arith.constant 0 : i32
    %dma_wait3A_72 = tpu.memref_slice %arg7[%dma_wait3A_70, %dma_wait3A_71] : memref<100x64xi32, #tpu.memory_space<vmem>> -> memref<1x64xi32, #tpu.memory_space<vmem>>
    %dma_wait3A_73 = tpu.memref_squeeze %dma_wait3A_72 : memref<1x64xi32, #tpu.memory_space<vmem>> -> memref<64xi32, #tpu.memory_space<vmem>>
    %dma_wait3A_74 = arith.constant 0 : i32
    %dma_wait3A_75 = arith.constant 0 : i32
    %dma_wait3A_76 = tpu.memref_slice %arg5[%dma_wait3A_74, %dma_wait3A_75] : memref<204800x128xf32, #tpu.memory_space<hbm>> -> memref<204800x128xf32, #tpu.memory_space<hbm>>
    tpu.wait_indirect_dma semaphore(%arg21 : memref<!tpu.dma_semaphore, #tpu.memory_space<semaphore_mem>>) src(%arg13 : memref<64x128xf32, #tpu.memory_space<vmem>>) dst(%dma_wait3A_76 : memref<204800x128xf32, #tpu.memory_space<hbm>>)
    %dma_wait3A_77 = arith.constant 98 : i32
    %dma_wait3A_78 = arith.constant 0 : i32
    %dma_wait3A_79 = tpu.memref_slice %arg7[%dma_wait3A_77, %dma_wait3A_78] : memref<100x64xi32, #tpu.memory_space<vmem>> -> memref<1x64xi32, #tpu.memory_space<vmem>>
    %dma_wait3A_80 = tpu.memref_squeeze %dma_wait3A_79 : memref<1x64xi32, #tpu.memory_space<vmem>> -> memref<64xi32, #tpu.memory_space<vmem>>
    %dma_wait3A_81 = arith.constant 0 : i32
    %dma_wait3A_82 = arith.constant 0 : i32
    %dma_wait3A_83 = tpu.memref_slice %arg5[%dma_wait3A_81, %dma_wait3A_82] : memref<204800x128xf32, #tpu.memory_space<hbm>> -> memref<204800x128xf32, #tpu.memory_space<hbm>>
    tpu.wait_indirect_dma semaphore(%arg22 : memref<!tpu.dma_semaphore, #tpu.memory_space<semaphore_mem>>) src(%arg14 : memref<64x128xf32, #tpu.memory_space<vmem>>) dst(%dma_wait3A_83 : memref<204800x128xf32, #tpu.memory_space<hbm>>)
    %dma_wait3A_84 = arith.constant 99 : i32
    %dma_wait3A_85 = arith.constant 0 : i32
    %dma_wait3A_86 = tpu.memref_slice %arg7[%dma_wait3A_84, %dma_wait3A_85] : memref<100x64xi32, #tpu.memory_space<vmem>> -> memref<1x64xi32, #tpu.memory_space<vmem>>
    %dma_wait3A_87 = tpu.memref_squeeze %dma_wait3A_86 : memref<1x64xi32, #tpu.memory_space<vmem>> -> memref<64xi32, #tpu.memory_space<vmem>>
    %dma_wait3A_88 = arith.constant 0 : i32
    %dma_wait3A_89 = arith.constant 0 : i32
    %dma_wait3A_90 = tpu.memref_slice %arg5[%dma_wait3A_88, %dma_wait3A_89] : memref<204800x128xf32, #tpu.memory_space<hbm>> -> memref<204800x128xf32, #tpu.memory_space<hbm>>
    tpu.wait_indirect_dma semaphore(%arg23 : memref<!tpu.dma_semaphore, #tpu.memory_space<semaphore_mem>>) src(%arg15 : memref<64x128xf32, #tpu.memory_space<vmem>>) dst(%dma_wait3A_90 : memref<204800x128xf32, #tpu.memory_space<hbm>>)
    return
  }
}

</mosaic_0001>

<sc_bundles>
// kernel: kernel.3.cloned.1.call-start
scs
__scs_entry_jumppad:
0x0: {  	(pc) =	sbr.rel $0x88, $3  }
0x1: {  	(tag) =	ssettag $0x0;
	lr =	simm.s32 $0x1  }
0x2: {  	[smem:$0x3F9F] =	sst lr;
	_ =	strace $0xD0000000  }
0x3: {  	_ = 	snop  }
0x4: {  	_ = 	snop  }
0x5: {  	_ = 	snop  }
0x6: {  	_ = 	snop  }
0x7: {  	_ = 	snop  }
__scs_overlays_trampoline_lowered:
0x8: {  	[smem:$0x3FAE] =	sst s0  }
0x9: {  	[smem:$0x3FAF] =	sst s1  }
0xa: {  	[smem:$0x3FB0] =	sst s2  }
0xb: {  	[smem:$0x3FB1] =	sst s3  }
0xc: {  	[smem:$0x3FB2] =	sst s4  }
0xd: {  	[smem:$0x3FB3] =	sst s5  }
0xe: {  	[smem:$0x3FB4] =	sst s6  }
0xf: {  	[smem:$0x3FB5] =	sst s7  }
0x10: {  	[smem:$0x3FB6] =	sst s8  }
0x11: {  	[smem:$0x3FB7] =	sst s9;
	s0 =	simm.s32 @!p0 $0x0  }
0x12: {  	s1 =	sld [smem:$0x3F9D];
	s0 =	simm.s32 @p0 $0x1  }
0x13: {  	[smem:$0x3FB8] =	sst s0;
	s0 =	simm.s32 @!p1 $0x0  }
0x14: {  	s2 =	sld [smem:$0x3F9C];
	s0 =	simm.s32 @p1 $0x1  }
0x15: {  	[smem:$0x3FB9] =	sst s0;
	s0 =	simm.s32 @!p2 $0x0  }
0x16: {  	s3 =	sld [smem:$0x3FDB];
	s0 =	simm.s32 @p2 $0x1  }
0x17: {  	s4 =	simm.s32 $0x1BF5;
	[smem:$0x3FBB] =	sst s0  }
0x18: {  	s0 =	sld [smem:$0x3F9E];
	_ =	swait.ge [sflag:s4], $0x0  }
0x19: {  	s7 =	sld [smem:$0x3F9F]  }
0x1a: {  	s8 =	sadd.s32 $0xFFFFE003, lr  }
0x1b: {  	s9 =	sadd.s32 $0xFFFFFEF7, lr;
	s5 =	simm.s32 $0xFFFFFFFF;
	p2 =	slt.u32 s8, $0xFFFFF086  }
0x1c: {  	p1 =	slt.u32 s9, $0xF7A;
	s5 =	simm.s32 @!p2 $0x0  }
0x1d: {  	s5 =	simm.s32 @p1 $0x1;
	p0 =	seq.s32 s7, s2  }
0x1e: {  	s7 =	smul.u32 @!p0 $0xF7A, s2;
	p2 =	seq.s32 @!p0 s5, $0x0  }
0x1f: {  	s9 =	smul.u32 $0xF7A, s1;
	s8 =	simm.s32 @!p0 $0x1BF5;
	p2 =	por !p2, p0  }
0x20: {  	[sflag:s8] =	ssyncset.s32 @!p0 $0xFFFFF086;
	s6 =	sadd.s32 @!p0 s3, s7;
	s7 =	simm.s32 @!p0 $0x108  }
0x21: {  	s3 =	sadd.s32 s3, s9;
	s6 =	sadd.s32 @!p0 $0x88, s6;
	s7 =	simm.s32 @p2 $0x1082  }
0x22: {  	[simem:s7], [sflag:s8] =	dma.local @!p0 [hbm:s6], $0xF7A  }
0x23: {  	s9 =	sor.u32 $0xD0000000, s2;
	s6 =	simm.s32 $0x108;
	_ =	swait.ge @!p0 [sflag:s8], $0x0  }
0x24: {  	s3 =	sadd.s32 $0x88, s3;
	s6 =	simm.s32 @!p1 $0x1082;
	[sflag:s4] =	ssyncset.s32 $0xFFFFF086  }
0x25: {  	[simem:s6], [sflag:s4] =	dma.local [hbm:s3], $0xF7A  }
0x26: {  	[smem:$0x3F9F] =	sst s1;
	(tag) =	ssettag s2;
	_ =	strace s9  }
0x27: {  	s1 =	sld [smem:$0x3FAF]  }
0x28: {  	s2 =	sld [smem:$0x3FB0]  }
0x29: {  	s4 =	sld [smem:$0x3FB2]  }
0x2a: {  	p0 =	seq.s32 s5, $0x0;
	s5 =	sld [smem:$0x3FB3]  }
0x2b: {  	s6 =	sld [smem:$0x3FB4]  }
0x2c: {  	s7 =	sld [smem:$0x3FB5]  }
0x2d: {  	s3 =	simm.s32 $0x108;
	s8 =	sld [smem:$0x3FB6]  }
0x2e: {  	s3 =	simm.s32 @!p0 $0x1082;
	s9 =	sld [smem:$0x3FB7]  }
0x2f: {  	lr =	sadd.s32 s0, s3;
	s0 =	sld [smem:$0x3FAE]  }
0x30: {  	s3 =	sld [smem:$0x3FB1]  }
0x31: {  	[smem:$0x3FBA] =	sst s10  }
0x32: {  	s10 =	sld [smem:$0x3FB8];
	_ =	sdelay $0x3  }
0x33: {  	p0 =	seq.s32 s10, $0x1;
	s10 =	sld [smem:$0x3FBA];
	_ =	sdelay $0x3  }
0x34: {  	[smem:$0x3FBA] =	sst s10  }
0x35: {  	s10 =	sld [smem:$0x3FB9];
	_ =	sdelay $0x3  }
0x36: {  	p1 =	seq.s32 s10, $0x1;
	s10 =	sld [smem:$0x3FBA];
	_ =	sdelay $0x3  }
0x37: {  	[smem:$0x3FBA] =	sst s10  }
0x38: {  	s10 =	sld [smem:$0x3FBB]  }
0x39: {  	_ = 	snop;
	(pc) =	sbr.ind lr, $3  }
0x3a: {  	_ = 	snop  }
0x3b: {  	_ = 	snop  }
0x3c: {  	p2 =	seq.s32 s10, $0x1;
	s10 =	sld [smem:$0x3FBA]  }
0x3d: {  	_ =	shalt  }
0x3e: {  	_ =	shalt  }
0x3f: {  	_ =	shalt  }
0x40: {  	_ =	shalt  }
0x41: {  	_ =	shalt  }
0x42: {  	_ =	shalt  }
0x43: {  	_ =	shalt  }
0x44: {  	_ =	shalt  }
0x45: {  	_ =	shalt  }
0x46: {  	_ =	shalt  }
0x47: {  	_ =	shalt  }
0x48: {  	_ =	shalt  }
0x49: {  	_ =	shalt  }
0x4a: {  	_ =	shalt  }
0x4b: {  	_ =	shalt  }
0x4c: {  	_ =	shalt  }
0x4d: {  	_ =	shalt  }
0x4e: {  	_ =	shalt  }
0x4f: {  	_ =	shalt  }
0x50: {  	_ =	shalt  }
0x51: {  	_ =	shalt  }
0x52: {  	_ =	shalt  }
0x53: {  	_ =	shalt  }
0x54: {  	_ =	shalt  }
0x55: {  	_ =	shalt  }
0x56: {  	_ =	shalt  }
0x57: {  	_ =	shalt  }
0x58: {  	_ =	shalt  }
0x59: {  	_ =	shalt  }
0x5a: {  	_ =	shalt  }
0x5b: {  	_ =	shalt  }
0x5c: {  	_ =	shalt  }
0x5d: {  	_ =	shalt  }
0x5e: {  	_ =	shalt  }
0x5f: {  	_ =	shalt  }
0x60: {  	_ =	shalt  }
0x61: {  	_ =	shalt  }
0x62: {  	_ =	shalt  }
0x63: {  	_ =	shalt  }
0x64: {  	_ =	shalt  }
0x65: {  	_ =	shalt  }
0x66: {  	_ =	shalt  }
0x67: {  	_ =	shalt  }
0x68: {  	_ =	shalt  }
0x69: {  	_ =	shalt  }
0x6a: {  	_ =	shalt  }
0x6b: {  	_ =	shalt  }
0x6c: {  	_ =	shalt  }
0x6d: {  	_ =	shalt  }
0x6e: {  	_ =	shalt  }
0x6f: {  	_ =	shalt  }
0x70: {  	_ =	shalt  }
0x71: {  	_ =	shalt  }
0x72: {  	_ =	shalt  }
0x73: {  	_ =	shalt  }
0x74: {  	_ =	shalt  }
0x75: {  	_ =	shalt  }
0x76: {  	_ =	shalt  }
0x77: {  	_ =	shalt  }
0x78: {  	_ =	shalt  }
0x79: {  	_ =	shalt  }
0x7a: {  	_ =	shalt  }
0x7b: {  	_ =	shalt  }
0x7c: {  	_ =	shalt  }
0x7d: {  	_ =	shalt  }
0x7e: {  	_ =	shalt  }
0x7f: {  	_ =	shalt  }
0x80: {  	_ =	shalt  }
0x81: {  	_ =	shalt  }
0x82: {  	_ =	shalt  }
0x83: {  	_ =	shalt  }
0x84: {  	_ =	shalt  }
0x85: {  	_ =	shalt  }
0x86: {  	_ =	shalt  }
0x87: {  	_ =	shalt  }
.Lfunc_end0:
.L_simem_size_0:
called_computation_lowered:
.L_overlay_start_0:
0x88: {  	s2 =	sld [smem:$0x3FD9]  }
0x89: {  	s3 =	sld [smem:$0x3FFE];
	_ =	sdelay $0x1  }
0x8a: {  	s1 =	srdreg.scid  }
0x8b: {  	s0 =	sand.u32 $0x1, s1  }
0x8c: {  	s17 =	sshll.u32 s0, $0xA;
	s2 =	sadd.s32 s3, s2  }
0x8d: {  	s2 =	sadd.s32 s2, s17  }
0x8e: {  	[smem:$0x3FC6] =	sst s2  }
0x8f: {  	_ = 	snop  }
0x90: {  	s2 =	sld [smem:$0x3FC8]  }
0x91: {  	s18 =	sld [smem:$0x3FD0];
	(tm) =	ssettm $0x1  }
0x92: {  	s4 =	sld [smem:$0x3FFB];
	_ =	sdelay $0x3  }
0x93: {  	_ =	strace s4  }
0x94: {  	s4 =	sld [smem:$0x3FFC];
	_ =	sdelay $0x3  }
0x95: {  	_ =	strace s4  }
0x96: {  	s4 =	sld [smem:$0x3FFD];
	_ =	sdelay $0x3  }
0x97: {  	_ =	strace s4  }
0x98: {  	_ =	strace $0x8FFFFFFF  }
0x99: {  	s19 =	sld [smem:$0x3FDB];
	_ =	sdelay $0x1  }
0x9a: {  	s5 =	simm.s32 $_scs_section_size  }
0x9b: {  	s6 =	simm.s32 $_size__tile_overlayer_lowered;
	s7 =	simm.s32 $_tile_overlayer_lowered  }
0x9c: {  	s22 =	simm.s32 $0x1BFF;
	s21 =	sshll.u32 s7, $0x1;
	s4 =	sadd.s32 s5, s19  }
0x9d: {  	s8 =	simm.s32 $0x0;
	s20 =	sshll.u32 s6, $0x1;
	s6 =	sadd.s32 s21, s4  }
0x9e: {  	[timem:s8], [sflag:s22] =	dma.local [hbm:s6], s20  }
0x9f: {  	_ =	swait.ge [sflag:s22], s20  }
0xa0: {  	s5 =	ssub.s32 $0x0, s20;
	[sflag:s22] =	ssyncset.done $0x0  }
0xa1: {  	[sflag:s22] =	ssyncadd.s32 s5;
	_ =	sdelay $0x1  }
0xa2: {  	s23 =	simm.s32 $0x1B8B  }
0xa3: {  	_ =	swait.ge [sflag:s23], $0x1  }
0xa4: {  	[sflag:s23] =	ssyncset.done $0x0  }
0xa5: {  	s25 =	simm.s32 $0x1B8E;
	s24 =	sld [smem:$0x3FFE];
	[sflag:s23] =	ssyncadd.s32 $0xFFFFFFFF  }
0xa6: {  	s26 =	simm.s32 $execute0_lowered;
	[smem:$0x3FD2] =	sst s25  }
0xa7: {  	s6 =	sshll.u32 s26, $0x1;
	_ =	strace $0x80000046;
	[dreg:$0x1] =	wrdreg $0xFFFFFFFF  }
0xa8: {  	s28 =	simm.s32 $_size_execute0_lowered;
	s4 =	sadd.s32 s4, s6;
	[dreg:$0x0] =	wrdreg $0x0  }
0xa9: {  	s6 =	sshll.u32 s28, $0x1;
	[dreg:$0x2] =	wrdreg s4  }
0xaa: {  	[dreg:$0x3] =	wrdreg s6  }
0xab: {  	[dreg:$0x4] =	wrdreg $0xC0  }
0xac: {  	_ =	task [dreg:s8], $0x5FFFF  }
0xad: {  	[dreg:$0x1] =	wrdreg $0xFFFFFFFF  }
0xae: {  	[dreg:$0x0] =	wrdreg $0x60  }
0xaf: {  	[dreg:$0x2] =	wrdreg s2  }
0xb0: {  	[dreg:$0x3] =	wrdreg s24  }
0xb1: {  	[dreg:$0x4] =	wrdreg s18  }
0xb2: {  	[dreg:$0x5] =	wrdreg $0x9  }
0xb3: {  	_ =	task.clear_ibuf [dreg:s8], $0x6FFFF;
	_ =	strace $0x90000046  }
0xb4: {  	s29 =	simm.s32 $0x9;
	_ =	strace $0x80000048  }
0xb5: {  	_ =	swait.ge [sflag:s29], $0x1  }
0xb6: {  	[sflag:s29] =	ssyncadd.s32 $0xFFFFFFFF  }
0xb7: {  	_ =	strace $0x90000048  }
0xb8: {  	_ =	sfence  }
0xb9: {  	s30 =	sld [smem:$0x0];
	_ =	sdelay $0x2  }
0xba: {  	s31 =	sshll.u32 s1, $0xD;
	s1 =	sshrl.u32 s1, $0x2  }
0xbb: {  	s3 =	sand.u32 $0x4000, s31;
	s1 =	sadd.s32 s1, s30  }
0xbc: {  	s0 =	sor.u32 s3, s0;
	s1 =	sshll.u32 s1, $0x11  }
0xbd: {  	s0 =	sor.u32 s1, s0  }
0xbe: {  	s0 =	sadd.s32 $0x8F2B, s0  }
0xbf: {  	[sflag:s0] =	ssyncadd.remote.s32 $0x1  }
0xc0: {  	_ =	sfence.sel $0xFFFF  }
0xc1: {  	[dreg:$0x0] =	wrdreg $0xFFFFFFFF;
	(pc) =	sbr.abs _section_cstart, $3  }
0xc2: {  	[dreg:$0x1] =	wrdreg $0xFFFFFFFF  }
0xc3: {  	_ =	task.clear_ibuf [dreg:s8], $0x2FFFF;
	_ =	strace $0x9FFFFFFF  }
0xc4: {  	(tm) =	ssettm $0x7FFFFFFF  }
0xc5: {  	_ =	shalt  }
tec
execute0_lowered:
.L_overlay_start_1:
0x0: {  	(tag) =	ssettag $0x1  }
0x1: {  	s1 =	rddreg [dreg:$0x0]  }
0x2: {  	s0 =	srdreg.scid;
	s3 =	stileid.u32  }
0x3: {  	s2 =	rddreg [dreg:$0x1];
	s9 =	simm.s32 $0x9;
	s10 =	simm.s32 $0x40  }
0x4: {  	s14 =	simm.s32 $0x100;
	s15 =	simm.s32 $0xA800;
	s16 =	simm.s32 $0x180  }
0x5: {  	s17 =	simm.s32 $0xC800;
	s18 =	simm.s32 $0x1;
	s19 =	simm.s32 $0xE800  }
0x6: {  	s20 =	simm.s32 $0x2;
	s21 =	simm.s32 $0x10800;
	s22 =	simm.s32 $0x3  }
0x7: {  	s23 =	simm.s32 $0x12800;
	s24 =	simm.s32 $0x4;
	s25 =	simm.s32 $0x14800  }
0x8: {  	s28 =	simm.s32 $0x6;
	s29 =	simm.s32 $0x7;
	s30 =	simm.s32 $0x8  }
0x9: {  	s31 =	simm.s32 $0x0;
	s0 =	sand.u32 $0x1, s0;
	s4 =	sshll.u32 s3, $0x1  }
.Ltmp0:
0xa: {  	s5 =	sor.u32 s0, s4;
	s4 =	simm.s32 $0x0;
	(pc) =	sbr.rel .LBB2_1-.Ltmp0, $4  }
0xb: {  	s0 =	ssub.s32 $0x2, s0;
	s5 =	smul.u32 $0x680, s5;
	[smem:$0x7FF] =	sst s4  }
0xc: {  	s3 =	rddreg [dreg:$0x2];
	s26 =	sshrl.u32 s0, $0x1;
	_ =	strace $0x80000047  }
0xd: {  	s0 =	ssub.s32 s0, s26;
	s26 =	simm.s32 $0x5;
	s2 =	sadd.s32 s5, s2  }
0xe: {  	s7 =	smax.u32 s0, $0x1;
	s5 =	sadd.s32 $0x600, s2;
	s6 =	sadd.s32 $0xD600, s2  }
.LBB2_12:
0xf: {  	[hbm4b:s3+s10] =	stream.indirect.scatter [tilespmem:s25], [sflag:$0x8], $0x80, s8, s10, $0xb8;
	[tilespmem:$0x16800] =	vst v63  }
0x10: {  	_ =	swait.ge [sflag:s26], $0x2000  }
0x11: {  	[sflag:s26] =	ssyncset.done $0x0  }
0x12: {  	[sflag:s26] =	ssyncadd.s32 $0xFFFFE000  }
0x13: {  	_ =	swait.ge [sflag:s28], $0x2000  }
0x14: {  	[sflag:s28] =	ssyncset.done $0x0  }
0x15: {  	s31 =	sadd.s32 $0x1, s31;
	[sflag:s28] =	ssyncadd.s32 $0xFFFFE000  }
0x16: {  	p0 =	sne.s32 s31, s7;
	_ =	swait.ge [sflag:s29], $0x2000  }
.Ltmp1:
0x17: {  	[sflag:s29] =	ssyncset.done $0x0;
	(pc) =	sbr.rel @!p0 .LBB2_13-.Ltmp1, $4  }
0x18: {  	[sflag:s29] =	ssyncadd.s32 $0xFFFFE000  }
0x19: {  	_ =	swait.ge [sflag:s30], $0x2000  }
0x1a: {  	[sflag:s30] =	ssyncset.done $0x0  }
0x1b: {  	[sflag:s30] =	ssyncadd.s32 $0xFFFFE000  }
.LBB2_1:
0x1c: {  	[tilespmem:s4], [sflag:$0x9] =	stream.linear.gather [hbm4b:s5+s4], $0x3200, $0x38;
	[tilespmem:$0x16800] =	vst v63  }
0x1d: {  	s0 =	simm.s32 $0x3400  }
0x1e: {  	[tilespmem:s0], [sflag:$0x9] =	stream.linear.gather [hbm4b:s6+s4], $0x3200, $0x38;
	[tilespmem:$0x16800] =	vst v63  }
0x1f: {  	_ =	swait.ge [sflag:s9], $0x3200  }
0x20: {  	[sflag:s9] =	ssyncset.done $0x0  }
0x21: {  	[sflag:s9] =	ssyncadd.s32 $0xFFFFCE00  }
0x22: {  	_ =	swait.ge [sflag:s9], $0x3200  }
0x23: {  	[sflag:s9] =	ssyncset.done $0x0  }
0x24: {  	s12 =	simm.s32 $0x6800;
	[sflag:s9] =	ssyncadd.s32 $0xFFFFCE00  }
0x25: {  	[tilespmem:s12], [sflag:$0x1] =	stream.indirect.gather [hbm4b:s1+s10], $0x80, s4, s10, $0xb8;
	[tilespmem:$0x16800] =	vst v63  }
0x26: {  	s13 =	simm.s32 $0x80;
	s2 =	simm.s32 $0x8800  }
0x27: {  	[tilespmem:s2], [sflag:$0x2] =	stream.indirect.gather [hbm4b:s1+s10], $0x80, s13, s10, $0xb8;
	[tilespmem:$0x16800] =	vst v63  }
0x28: {  	_ = 	snop  }
0x29: {  	[tilespmem:s15], [sflag:$0x3] =	stream.indirect.gather [hbm4b:s1+s10], $0x80, s14, s10, $0xb8;
	[tilespmem:$0x16800] =	vst v63  }
0x2a: {  	s2 =	simm.s32 $0x0  }
0x2b: {  	[tilespmem:s17], [sflag:$0x4] =	stream.indirect.gather [hbm4b:s1+s10], $0x80, s16, s10, $0xb8;
	[tilespmem:$0x16800] =	vst v63  }
.LBB2_2:
0x2c: {  	_ =	swait.ge [sflag:s18], $0x2000  }
0x2d: {  	p0 =	seq.s32 s2, $0x0;
	[sflag:s18] =	ssyncset.done $0x0  }
0x2e: {  	s0 =	simm.s32 @!p0 $0x5;
	[sflag:s18] =	ssyncadd.s32 $0xFFFFE000  }
0x2f: {  	_ =	swait.ge @!p0 [sflag:s0], $0x2000  }
0x30: {  	[sflag:s0] =	ssyncset.done @!p0 $0x0  }
0x31: {  	s8 =	simm.s32 $0x0;
	[sflag:s0] =	ssyncadd.s32 @!p0 $0xFFFFE000  }
0x32: {  	v1 =	vld [tilespmem:s8+$0x6870]  }
0x33: {  	v5 =	vld [tilespmem:s8+$0x6800]  }
0x34: {  	v6 =	vld [tilespmem:s8+$0x6810]  }
0x35: {  	v4 =	vld [tilespmem:s8+$0x6820]  }
0x36: {  	v3 =	vld [tilespmem:s8+$0x6830]  }
0x37: {  	v0 =	vld [tilespmem:s8+$0x6840];
	v7 =	vmul.f32 $1.131370830e+01, v1  }
0x38: {  	v1 =	vld [tilespmem:s8+$0x6850];
	v5 =	vmul.f32 $1.131370830e+01, v5  }
0x39: {  	s11 =	simm.s32 $0x80;
	s12 =	simm.s32 $0x400;
	s0 =	sshll.u32 s2, $0xB;
	v2 =	vld [tilespmem:s8+$0x6860];
	v6 =	vmul.f32 $1.131370830e+01, v6;
	[tilespmem:s8+$0xE870] =	vst v7  }
.LBB2_3:
0x3a: {  	p1 =	sne.s32 s12, $0x7E00;
	v7 =	vld [tilespmem:s11+$0x6870];
	[tilespmem:s8+$0xE800] =	vst v5;
	v4 =	vmul.f32 $1.131370830e+01, v4  }
0x3b: {  	v5 =	vld [tilespmem:s11+$0x6800];
	[tilespmem:s8+$0xE810] =	vst v6;
	v3 =	vmul.f32 $1.131370830e+01, v3  }
0x3c: {  	v6 =	vld [tilespmem:s11+$0x6810];
	[tilespmem:s8+$0xE820] =	vst v4;
	v0 =	vmul.f32 $1.131370830e+01, v0  }
.Ltmp2:
0x3d: {  	v4 =	vld [tilespmem:s11+$0x6820];
	[tilespmem:s8+$0xE830] =	vst v3;
	v1 =	vmul.f32 $1.131370830e+01, v1;
	(pc) =	sbr.rel @p1 .LBB2_3-.Ltmp2, $4  }
0x3e: {  	v3 =	vld [tilespmem:s11+$0x6830];
	[tilespmem:s8+$0xE840] =	vst v0;
	v2 =	vmul.f32 $1.131370830e+01, v2  }
0x3f: {  	v0 =	vld [tilespmem:s11+$0x6840];
	v7 =	vmul.f32 $1.131370830e+01, v7;
	[tilespmem:s8+$0xE850] =	vst v1  }
0x40: {  	v5 =	vmul.f32 $1.131370830e+01, v5;
	v1 =	vld [tilespmem:s11+$0x6850];
	[tilespmem:s8+$0xE860] =	vst v2;
	s8 =	smov.u32 s11  }
0x41: {  	s11 =	sshra.s32 s12, $0x2;
	s12 =	sadd.s32 $0x200, s12;
	v6 =	vmul.f32 $1.131370830e+01, v6;
	v2 =	vld [tilespmem:s8+$0x6860];
	[tilespmem:s8+$0xE870] =	vst v7  }
0x42: {  	v7 =	vld [tilespmem:s11+$0x6870];
	[tilespmem:s8+$0xE800] =	vst v5;
	v4 =	vmul.f32 $1.131370830e+01, v4  }
0x43: {  	v5 =	vld [tilespmem:s11+$0x6800];
	[tilespmem:s8+$0xE810] =	vst v6;
	v3 =	vmul.f32 $1.131370830e+01, v3  }
0x44: {  	v6 =	vld [tilespmem:s11+$0x6810];
	[tilespmem:s8+$0xE820] =	vst v4;
	v0 =	vmul.f32 $1.131370830e+01, v0  }
0x45: {  	v4 =	vld [tilespmem:s11+$0x6820];
	[tilespmem:s8+$0xE830] =	vst v3;
	v1 =	vmul.f32 $1.131370830e+01, v1  }
0x46: {  	v3 =	vld [tilespmem:s11+$0x6830];
	[tilespmem:s8+$0xE840] =	vst v0;
	v2 =	vmul.f32 $1.131370830e+01, v2  }
0x47: {  	v0 =	vld [tilespmem:s11+$0x6840];
	[tilespmem:s8+$0xE850] =	vst v1;
	v7 =	vmul.f32 $1.131370830e+01, v7  }
0x48: {  	v1 =	vld [tilespmem:s11+$0x6850];
	[tilespmem:s8+$0xE860] =	vst v2;
	v2 =	vmul.f32 $1.131370830e+01, v5  }
0x49: {  	v5 =	vld [tilespmem:s11+$0x6860];
	v6 =	vmul.f32 $1.131370830e+01, v6;
	[tilespmem:s11+$0xE870] =	vst v7  }
0x4a: {  	[tilespmem:s11+$0xE800] =	vst v2;
	v2 =	vmul.f32 $1.131370830e+01, v4  }
0x4b: {  	[tilespmem:s11+$0xE810] =	vst v6;
	v3 =	vmul.f32 $1.131370830e+01, v3  }
0x4c: {  	[tilespmem:s11+$0xE820] =	vst v2;
	v0 =	vmul.f32 $1.131370830e+01, v0  }
0x4d: {  	[tilespmem:s11+$0xE830] =	vst v3;
	v1 =	vmul.f32 $1.131370830e+01, v1  }
0x4e: {  	p1 =	seq.s32 s2, $0x18;
	[tilespmem:s11+$0xE840] =	vst v0;
	v0 =	vmul.f32 $1.131370830e+01, v5  }
0x4f: {  	s12 =	simm.s32 @!p1 $0x40;
	s8 =	sshrl.u32 @!p1 s0, $0x2;
	[tilespmem:s11+$0xE850] =	vst v1  }
0x50: {  	s13 =	simm.s32 @!p1 $0x6800;
	s0 =	sshrl.u32 s0, $0x2;
	[tilespmem:s11+$0xE860] =	vst v0;
	s11 =	sadd.s32 @!p1 $0x200, s8  }
0x51: {  	[tilespmem:s13], [sflag:$0x1] =	stream.indirect.gather @!p1 [hbm4b:s1+s12], $0x80, s11, s12, $0xb8;
	[tilespmem:$0x16800] =	vst v63  }
0x52: {  	s13 =	sadd.s32 $0x3400, s0  }
0x53: {  	[hbm4b:s3+s10] =	stream.indirect.scatter [tilespmem:s19], [sflag:$0x5], $0x80, s13, s10, $0xb8;
	[tilespmem:$0x16800] =	vst v63  }
0x54: {  	_ =	swait.ge [sflag:s20], $0x2000  }
0x55: {  	[sflag:s20] =	ssyncset.done $0x0  }
0x56: {  	s11 =	simm.s32 @!p0 $0x6;
	[sflag:s20] =	ssyncadd.s32 $0xFFFFE000  }
0x57: {  	_ =	swait.ge @!p0 [sflag:s11], $0x2000  }
0x58: {  	[sflag:s11] =	ssyncset.done @!p0 $0x0  }
0x59: {  	s12 =	simm.s32 $0x0;
	[sflag:s11] =	ssyncadd.s32 @!p0 $0xFFFFE000  }
0x5a: {  	v1 =	vld [tilespmem:s12+$0x8870]  }
0x5b: {  	v5 =	vld [tilespmem:s12+$0x8800]  }
0x5c: {  	v6 =	vld [tilespmem:s12+$0x8810]  }
0x5d: {  	v4 =	vld [tilespmem:s12+$0x8820]  }
0x5e: {  	v3 =	vld [tilespmem:s12+$0x8830]  }
0x5f: {  	v0 =	vld [tilespmem:s12+$0x8840];
	v7 =	vmul.f32 $1.131370830e+01, v1  }
0x60: {  	v1 =	vld [tilespmem:s12+$0x8850];
	v5 =	vmul.f32 $1.131370830e+01, v5  }
0x61: {  	s13 =	simm.s32 $0x400;
	s11 =	simm.s32 $0x80;
	v2 =	vld [tilespmem:s12+$0x8860];
	v6 =	vmul.f32 $1.131370830e+01, v6;
	[tilespmem:s12+$0x10870] =	vst v7  }
.LBB2_5:
0x62: {  	p2 =	sne.s32 s13, $0x7E00;
	v7 =	vld [tilespmem:s11+$0x8870];
	[tilespmem:s12+$0x10800] =	vst v5;
	v4 =	vmul.f32 $1.131370830e+01, v4  }
0x63: {  	v5 =	vld [tilespmem:s11+$0x8800];
	[tilespmem:s12+$0x10810] =	vst v6;
	v3 =	vmul.f32 $1.131370830e+01, v3  }
0x64: {  	v6 =	vld [tilespmem:s11+$0x8810];
	[tilespmem:s12+$0x10820] =	vst v4;
	v0 =	vmul.f32 $1.131370830e+01, v0  }
.Ltmp3:
0x65: {  	v4 =	vld [tilespmem:s11+$0x8820];
	[tilespmem:s12+$0x10830] =	vst v3;
	v1 =	vmul.f32 $1.131370830e+01, v1;
	(pc) =	sbr.rel @p2 .LBB2_5-.Ltmp3, $4  }
0x66: {  	v3 =	vld [tilespmem:s11+$0x8830];
	[tilespmem:s12+$0x10840] =	vst v0;
	v2 =	vmul.f32 $1.131370830e+01, v2  }
0x67: {  	v0 =	vld [tilespmem:s11+$0x8840];
	v7 =	vmul.f32 $1.131370830e+01, v7;
	[tilespmem:s12+$0x10850] =	vst v1  }
0x68: {  	v5 =	vmul.f32 $1.131370830e+01, v5;
	v1 =	vld [tilespmem:s11+$0x8850];
	[tilespmem:s12+$0x10860] =	vst v2;
	s12 =	smov.u32 s11  }
0x69: {  	s11 =	sshra.s32 s13, $0x2;
	s13 =	sadd.s32 $0x200, s13;
	v6 =	vmul.f32 $1.131370830e+01, v6;
	v2 =	vld [tilespmem:s12+$0x8860];
	[tilespmem:s12+$0x10870] =	vst v7  }
0x6a: {  	v7 =	vld [tilespmem:s11+$0x8870];
	[tilespmem:s12+$0x10800] =	vst v5;
	v4 =	vmul.f32 $1.131370830e+01, v4  }
0x6b: {  	v5 =	vld [tilespmem:s11+$0x8800];
	[tilespmem:s12+$0x10810] =	vst v6;
	v3 =	vmul.f32 $1.131370830e+01, v3  }
0x6c: {  	v6 =	vld [tilespmem:s11+$0x8810];
	[tilespmem:s12+$0x10820] =	vst v4;
	v0 =	vmul.f32 $1.131370830e+01, v0  }
0x6d: {  	v4 =	vld [tilespmem:s11+$0x8820];
	[tilespmem:s12+$0x10830] =	vst v3;
	v1 =	vmul.f32 $1.131370830e+01, v1  }
0x6e: {  	v3 =	vld [tilespmem:s11+$0x8830];
	[tilespmem:s12+$0x10840] =	vst v0;
	v2 =	vmul.f32 $1.131370830e+01, v2  }
0x6f: {  	v0 =	vld [tilespmem:s11+$0x8840];
	[tilespmem:s12+$0x10850] =	vst v1;
	v7 =	vmul.f32 $1.131370830e+01, v7  }
0x70: {  	v1 =	vld [tilespmem:s11+$0x8850];
	[tilespmem:s12+$0x10860] =	vst v2;
	v2 =	vmul.f32 $1.131370830e+01, v5  }
0x71: {  	v5 =	vld [tilespmem:s11+$0x8860];
	v6 =	vmul.f32 $1.131370830e+01, v6;
	[tilespmem:s11+$0x10870] =	vst v7  }
0x72: {  	[tilespmem:s11+$0x10800] =	vst v2;
	v2 =	vmul.f32 $1.131370830e+01, v4  }
0x73: {  	[tilespmem:s11+$0x10810] =	vst v6;
	v3 =	vmul.f32 $1.131370830e+01, v3  }
0x74: {  	[tilespmem:s11+$0x10820] =	vst v2;
	v0 =	vmul.f32 $1.131370830e+01, v0  }
0x75: {  	[tilespmem:s11+$0x10830] =	vst v3;
	v1 =	vmul.f32 $1.131370830e+01, v1  }
0x76: {  	[tilespmem:s11+$0x10840] =	vst v0;
	v0 =	vmul.f32 $1.131370830e+01, v5  }
0x77: {  	[tilespmem:s11+$0x10850] =	vst v1  }
0x78: {  	s13 =	simm.s32 @!p1 $0x8800;
	s12 =	simm.s32 @!p1 $0x40;
	[tilespmem:s11+$0x10860] =	vst v0;
	s11 =	sadd.s32 @!p1 $0x280, s8  }
0x79: {  	[tilespmem:s13], [sflag:$0x2] =	stream.indirect.gather @!p1 [hbm4b:s1+s12], $0x80, s11, s12, $0xb8;
	[tilespmem:$0x16800] =	vst v63  }
0x7a: {  	s13 =	sadd.s32 $0x3480, s0  }
0x7b: {  	[hbm4b:s3+s10] =	stream.indirect.scatter [tilespmem:s21], [sflag:$0x6], $0x80, s13, s10, $0xb8;
	[tilespmem:$0x16800] =	vst v63  }
0x7c: {  	_ =	swait.ge [sflag:s22], $0x2000  }
0x7d: {  	[sflag:s22] =	ssyncset.done $0x0  }
0x7e: {  	s11 =	simm.s32 @!p0 $0x7;
	[sflag:s22] =	ssyncadd.s32 $0xFFFFE000  }
0x7f: {  	_ =	swait.ge @!p0 [sflag:s11], $0x2000  }
0x80: {  	[sflag:s11] =	ssyncset.done @!p0 $0x0  }
0x81: {  	s12 =	simm.s32 $0x0;
	[sflag:s11] =	ssyncadd.s32 @!p0 $0xFFFFE000  }
0x82: {  	v1 =	vld [tilespmem:s12+$0xA870]  }
0x83: {  	v5 =	vld [tilespmem:s12+$0xA800]  }
0x84: {  	v6 =	vld [tilespmem:s12+$0xA810]  }
0x85: {  	v4 =	vld [tilespmem:s12+$0xA820]  }
0x86: {  	v3 =	vld [tilespmem:s12+$0xA830]  }
0x87: {  	v0 =	vld [tilespmem:s12+$0xA840];
	v7 =	vmul.f32 $1.131370830e+01, v1  }
0x88: {  	v1 =	vld [tilespmem:s12+$0xA850];
	v5 =	vmul.f32 $1.131370830e+01, v5  }
0x89: {  	s13 =	simm.s32 $0x400;
	s11 =	simm.s32 $0x80;
	v2 =	vld [tilespmem:s12+$0xA860];
	v6 =	vmul.f32 $1.131370830e+01, v6;
	[tilespmem:s12+$0x12870] =	vst v7  }
.LBB2_7:
0x8a: {  	p2 =	sne.s32 s13, $0x7E00;
	v7 =	vld [tilespmem:s11+$0xA870];
	[tilespmem:s12+$0x12800] =	vst v5;
	v4 =	vmul.f32 $1.131370830e+01, v4  }
0x8b: {  	v5 =	vld [tilespmem:s11+$0xA800];
	[tilespmem:s12+$0x12810] =	vst v6;
	v3 =	vmul.f32 $1.131370830e+01, v3  }
0x8c: {  	v6 =	vld [tilespmem:s11+$0xA810];
	[tilespmem:s12+$0x12820] =	vst v4;
	v0 =	vmul.f32 $1.131370830e+01, v0  }
.Ltmp4:
0x8d: {  	v4 =	vld [tilespmem:s11+$0xA820];
	[tilespmem:s12+$0x12830] =	vst v3;
	v1 =	vmul.f32 $1.131370830e+01, v1;
	(pc) =	sbr.rel @p2 .LBB2_7-.Ltmp4, $4  }
0x8e: {  	v3 =	vld [tilespmem:s11+$0xA830];
	[tilespmem:s12+$0x12840] =	vst v0;
	v2 =	vmul.f32 $1.131370830e+01, v2  }
0x8f: {  	v0 =	vld [tilespmem:s11+$0xA840];
	v7 =	vmul.f32 $1.131370830e+01, v7;
	[tilespmem:s12+$0x12850] =	vst v1  }
0x90: {  	v5 =	vmul.f32 $1.131370830e+01, v5;
	v1 =	vld [tilespmem:s11+$0xA850];
	[tilespmem:s12+$0x12860] =	vst v2;
	s12 =	smov.u32 s11  }
0x91: {  	s11 =	sshra.s32 s13, $0x2;
	s13 =	sadd.s32 $0x200, s13;
	v6 =	vmul.f32 $1.131370830e+01, v6;
	v2 =	vld [tilespmem:s12+$0xA860];
	[tilespmem:s12+$0x12870] =	vst v7  }
0x92: {  	v7 =	vld [tilespmem:s11+$0xA870];
	[tilespmem:s12+$0x12800] =	vst v5;
	v4 =	vmul.f32 $1.131370830e+01, v4  }
0x93: {  	v5 =	vld [tilespmem:s11+$0xA800];
	[tilespmem:s12+$0x12810] =	vst v6;
	v3 =	vmul.f32 $1.131370830e+01, v3  }
0x94: {  	v6 =	vld [tilespmem:s11+$0xA810];
	[tilespmem:s12+$0x12820] =	vst v4;
	v0 =	vmul.f32 $1.131370830e+01, v0  }
0x95: {  	v4 =	vld [tilespmem:s11+$0xA820];
	[tilespmem:s12+$0x12830] =	vst v3;
	v1 =	vmul.f32 $1.131370830e+01, v1  }
0x96: {  	v3 =	vld [tilespmem:s11+$0xA830];
	[tilespmem:s12+$0x12840] =	vst v0;
	v2 =	vmul.f32 $1.131370830e+01, v2  }
0x97: {  	v0 =	vld [tilespmem:s11+$0xA840];
	[tilespmem:s12+$0x12850] =	vst v1;
	v7 =	vmul.f32 $1.131370830e+01, v7  }
0x98: {  	v1 =	vld [tilespmem:s11+$0xA850];
	[tilespmem:s12+$0x12860] =	vst v2;
	v2 =	vmul.f32 $1.131370830e+01, v5  }
0x99: {  	v5 =	vld [tilespmem:s11+$0xA860];
	v6 =	vmul.f32 $1.131370830e+01, v6;
	[tilespmem:s11+$0x12870] =	vst v7  }
0x9a: {  	[tilespmem:s11+$0x12800] =	vst v2;
	v2 =	vmul.f32 $1.131370830e+01, v4  }
0x9b: {  	[tilespmem:s11+$0x12810] =	vst v6;
	v3 =	vmul.f32 $1.131370830e+01, v3  }
0x9c: {  	[tilespmem:s11+$0x12820] =	vst v2;
	v0 =	vmul.f32 $1.131370830e+01, v0  }
0x9d: {  	[tilespmem:s11+$0x12830] =	vst v3;
	v1 =	vmul.f32 $1.131370830e+01, v1  }
0x9e: {  	[tilespmem:s11+$0x12840] =	vst v0;
	v0 =	vmul.f32 $1.131370830e+01, v5  }
0x9f: {  	[tilespmem:s11+$0x12850] =	vst v1  }
0xa0: {  	s8 =	sadd.s32 @!p1 $0x300, s8;
	s12 =	simm.s32 @!p1 $0xA800;
	[tilespmem:s11+$0x12860] =	vst v0;
	s11 =	simm.s32 @!p1 $0x40  }
0xa1: {  	[tilespmem:s12], [sflag:$0x3] =	stream.indirect.gather @!p1 [hbm4b:s1+s11], $0x80, s8, s11, $0xb8;
	[tilespmem:$0x16800] =	vst v63  }
0xa2: {  	s13 =	sadd.s32 $0x3500, s0  }
0xa3: {  	[hbm4b:s3+s10] =	stream.indirect.scatter [tilespmem:s23], [sflag:$0x7], $0x80, s13, s10, $0xb8;
	[tilespmem:$0x16800] =	vst v63  }
0xa4: {  	_ =	swait.ge [sflag:s24], $0x2000  }
0xa5: {  	[sflag:s24] =	ssyncset.done $0x0  }
0xa6: {  	s8 =	simm.s32 @!p0 $0x8;
	[sflag:s24] =	ssyncadd.s32 $0xFFFFE000  }
0xa7: {  	_ =	swait.ge @!p0 [sflag:s8], $0x2000  }
0xa8: {  	[sflag:s8] =	ssyncset.done @!p0 $0x0  }
0xa9: {  	s11 =	simm.s32 $0x0;
	[sflag:s8] =	ssyncadd.s32 @!p0 $0xFFFFE000  }
0xaa: {  	v1 =	vld [tilespmem:s11+$0xC870]  }
0xab: {  	v5 =	vld [tilespmem:s11+$0xC800]  }
0xac: {  	v6 =	vld [tilespmem:s11+$0xC810]  }
0xad: {  	v4 =	vld [tilespmem:s11+$0xC820]  }
0xae: {  	v3 =	vld [tilespmem:s11+$0xC830]  }
0xaf: {  	v0 =	vld [tilespmem:s11+$0xC840];
	v7 =	vmul.f32 $1.131370830e+01, v1  }
0xb0: {  	v1 =	vld [tilespmem:s11+$0xC850];
	v5 =	vmul.f32 $1.131370830e+01, v5  }
0xb1: {  	s12 =	simm.s32 $0x400;
	s8 =	simm.s32 $0x80;
	v2 =	vld [tilespmem:s11+$0xC860];
	v6 =	vmul.f32 $1.131370830e+01, v6;
	[tilespmem:s11+$0x14870] =	vst v7  }
.LBB2_9:
0xb2: {  	p0 =	sne.s32 s12, $0x7E00;
	v7 =	vld [tilespmem:s8+$0xC870];
	[tilespmem:s11+$0x14800] =	vst v5;
	v4 =	vmul.f32 $1.131370830e+01, v4  }
0xb3: {  	v5 =	vld [tilespmem:s8+$0xC800];
	[tilespmem:s11+$0x14810] =	vst v6;
	v3 =	vmul.f32 $1.131370830e+01, v3  }
0xb4: {  	v6 =	vld [tilespmem:s8+$0xC810];
	[tilespmem:s11+$0x14820] =	vst v4;
	v0 =	vmul.f32 $1.131370830e+01, v0  }
.Ltmp5:
0xb5: {  	v4 =	vld [tilespmem:s8+$0xC820];
	[tilespmem:s11+$0x14830] =	vst v3;
	v1 =	vmul.f32 $1.131370830e+01, v1;
	(pc) =	sbr.rel @p0 .LBB2_9-.Ltmp5, $4  }
0xb6: {  	v3 =	vld [tilespmem:s8+$0xC830];
	[tilespmem:s11+$0x14840] =	vst v0;
	v2 =	vmul.f32 $1.131370830e+01, v2  }
0xb7: {  	v0 =	vld [tilespmem:s8+$0xC840];
	v7 =	vmul.f32 $1.131370830e+01, v7;
	[tilespmem:s11+$0x14850] =	vst v1  }
0xb8: {  	v5 =	vmul.f32 $1.131370830e+01, v5;
	v1 =	vld [tilespmem:s8+$0xC850];
	[tilespmem:s11+$0x14860] =	vst v2;
	s11 =	smov.u32 s8  }
0xb9: {  	s8 =	sshra.s32 s12, $0x2;
	s12 =	sadd.s32 $0x200, s12;
	v6 =	vmul.f32 $1.131370830e+01, v6;
	v2 =	vld [tilespmem:s11+$0xC860];
	[tilespmem:s11+$0x14870] =	vst v7  }
0xba: {  	v7 =	vld [tilespmem:s8+$0xC870];
	[tilespmem:s11+$0x14800] =	vst v5;
	v4 =	vmul.f32 $1.131370830e+01, v4  }
0xbb: {  	v5 =	vld [tilespmem:s8+$0xC800];
	[tilespmem:s11+$0x14810] =	vst v6;
	v3 =	vmul.f32 $1.131370830e+01, v3  }
0xbc: {  	v6 =	vld [tilespmem:s8+$0xC810];
	[tilespmem:s11+$0x14820] =	vst v4;
	v0 =	vmul.f32 $1.131370830e+01, v0  }
0xbd: {  	v4 =	vld [tilespmem:s8+$0xC820];
	[tilespmem:s11+$0x14830] =	vst v3;
	v1 =	vmul.f32 $1.131370830e+01, v1  }
0xbe: {  	v3 =	vld [tilespmem:s8+$0xC830];
	[tilespmem:s11+$0x14840] =	vst v0;
	v2 =	vmul.f32 $1.131370830e+01, v2  }
0xbf: {  	v0 =	vld [tilespmem:s8+$0xC840];
	[tilespmem:s11+$0x14850] =	vst v1;
	v7 =	vmul.f32 $1.131370830e+01, v7  }
0xc0: {  	v1 =	vld [tilespmem:s8+$0xC850];
	[tilespmem:s11+$0x14860] =	vst v2;
	v60 =	vmul.f32 $1.131370830e+01, v5  }
0xc1: {  	v61 =	vld [tilespmem:s8+$0xC860];
	v6 =	vmul.f32 $1.131370830e+01, v6;
	[tilespmem:s8+$0x14870] =	vst v7  }
0xc2: {  	[tilespmem:s8+$0x14800] =	vst v60;
	v62 =	vmul.f32 $1.131370830e+01, v4  }
0xc3: {  	[tilespmem:s8+$0x14810] =	vst v6;
	v3 =	vmul.f32 $1.131370830e+01, v3  }
.Ltmp6:
0xc4: {  	[tilespmem:s8+$0x14820] =	vst v62;
	v0 =	vmul.f32 $1.131370830e+01, v0;
	(pc) =	sbr.rel @p1 .LBB2_12-.Ltmp6, $4  }
0xc5: {  	[tilespmem:s8+$0x14830] =	vst v3;
	v1 =	vmul.f32 $1.131370830e+01, v1  }
0xc6: {  	[tilespmem:s8+$0x14840] =	vst v0;
	v63 =	vmul.f32 $1.131370830e+01, v61  }
0xc7: {  	[tilespmem:s8+$0x14850] =	vst v1  }
0xc8: {  	[tilespmem:s8+$0x14860] =	vst v63;
	s8 =	sadd.s32 $0x3580, s0  }
.Ltmp7:
0xc9: {  	(pc) =	sbr.rel .LBB2_2-.Ltmp7, $4  }
0xca: {  	s0 =	sadd.s32 $0x380, s0  }
0xcb: {  	[tilespmem:s17], [sflag:$0x4] =	stream.indirect.gather [hbm4b:s1+s10], $0x80, s0, s10, $0xb8;
	[tilespmem:$0x16800] =	vst v63  }
0xcc: {  	s2 =	sadd.s32 $0x1, s2  }
0xcd: {  	[hbm4b:s3+s10] =	stream.indirect.scatter [tilespmem:s25], [sflag:$0x8], $0x80, s8, s10, $0xb8;
	[tilespmem:$0x16800] =	vst v63  }
.LBB2_13:
0xce: {  	_ =	sfence.sel $0x180000  }
0xcf: {  	[bflag:$0x0] =	sbarrier.arrive $0xFFFF  }
0xd0: {  	_ =	strace $0x90000047  }
0xd1: {  	s0 =	stileid.u32;
	[bflag:$0x2] =	sbarrier.arrive $0xFFFF  }
0xd2: {  	p0 =	sne.s32 s0, $0x0;
	s0 =	rddreg [dreg:$0x3]  }
0xd3: {  	s0 =	sadd.s32 @!p0 $0x100000, s0  }
0xd4: {  	[sflag:s0] =	ssyncadd.tile.s32 @!p0 $0x1;
	_ =	shalt  }
.Lfunc_end2:
_tile_overlayer_lowered:
.L_overlay_start_2:
0xd5: {  	(tag) =	ssettag $0x2  }
0xd6: {  	s0 =	rddreg [dreg:$0x0];
	s2 =	stileid.u32  }
0xd7: {  	s1 =	rddreg [dreg:$0x1];
	p0 =	sne.s32 s2, $0x0  }
0xd8: {  	s3 =	rddreg [dreg:$0x2];
	[bflag:$0x3] =	sbarrier.arrive $0xFFFF;
	s2 =	simm.s32 @!p0 $0x1C0A  }
0xd9: {  	[timem:s3], [sflag:s2] =	dma.local @!p0 [hbm:s0], s1  }
0xda: {  	s0 =	simm.s32 @!p0 $0xA  }
0xdb: {  	_ =	swait.ge @!p0 [sflag:s0], s1  }
0xdc: {  	s1 =	ssub.s32 @!p0 $0x0, s1;
	[sflag:s0] =	ssyncset.done @!p0 $0x0  }
0xdd: {  	[sflag:s0] =	ssyncadd.s32 @!p0 s1  }
0xde: {  	[bflag:$0x3] =	sbarrier.arrive $0xFFFF  }
0xdf: {  	_ =	shalt  }

</sc_bundles>
